<compile_context>
chip_gen: v7x
topology: tpu7x:2x2x1
jax: 0.10.2.dev20260603
libtpu: 0.0.44.dev20260713+nightly
codegen_flags: <defaults>
</compile_context>

<pallas_src>
import functools
import math

import jax
import jax.numpy as jnp
import numpy as np
from jax import lax
from jax.experimental import pallas as pl
from jax.experimental.pallas import tpu as pltpu
from jax.experimental.pallas import tpu_sc as plsc

N_ATOMS = 100000
N_MOL = 4096
SQ3 = 1.0 / math.sqrt(3.0)
PW0_SCALE = 1.0 / math.sqrt(128.0)

BLK = 4096
N_PAD = 102400
GRID = N_PAD // BLK
SLABS = N_PAD // 128
SLABS_PER_BLK = BLK // 128

NC = 2
NS = 16
NW = NC * NS
APT = N_PAD // NW
SPT = SLABS // NW
TAIL = N_ATOMS - (NW - 1) * APT
ROWS_PER_TILE = N_MOL // NS


def _atom_body(xs_ref, x0t_ref, x2t_ref, sw1t_ref, sb1_ref, sw2t_ref,
               sb2_ref, pw0t_ref, pb0t_ref, w2t_ref, st_ref, s_ref,
               qw0t_ref, qb0_ref, q2_ref, out_ref):
    dn11 = (((1,), (1,)), ((), ()))
    h = lax.dot_general(xs_ref[...], sw1t_ref[...], dn11) + sb1_ref[...]
    h = h * jax.nn.sigmoid(h)
    sot = lax.dot_general(sw2t_ref[...], h, dn11) + sb2_ref[...]
    h0t = pw0t_ref[...] @ x0t_ref[...] * PW0_SCALE + pb0t_ref[...]
    h0t = h0t * jax.nn.sigmoid(jnp.abs(h0t))
    h2t = w2t_ref[...] @ x2t_ref[...]
    n2t = jnp.sqrt(st_ref[...] @ (h2t * h2t) + 1e-12)
    h2t = h2t * (s_ref[...] @ jax.nn.sigmoid(n2t))
    o0t = qw0t_ref[...] @ h0t * 0.125 + qb0_ref[...]
    dn0 = (((0,), (0,)), ((), ()))
    o2t = lax.dot_general(q2_ref[...], h2t, dn0)
    a8t = jnp.concatenate(
        [o0t * sot[0:1, :], o2t * sot[1:2, :],
         jnp.zeros((2, BLK), jnp.float32)], axis=0)
    col = pl.program_id(0) * BLK + lax.broadcasted_iota(jnp.int32, (8, BLK), 1)
    a8t = jnp.where(col < N_ATOMS, a8t, 0.0)
    for c in range(SLABS_PER_BLK):
        out_ref[c] = a8t[:, c * 128:(c + 1) * 128]


_ATOM_IN_SPECS = [
    pl.BlockSpec((BLK, 128), lambda i: (i, 0)),
    pl.BlockSpec((128, BLK), lambda i: (0, i)),
    pl.BlockSpec((160, BLK), lambda i: (2, i)),
    pl.BlockSpec((64, 128), lambda i: (0, 0)),
    pl.BlockSpec((1, 64), lambda i: (0, 0)),
    pl.BlockSpec((2, 64), lambda i: (0, 0)),
    pl.BlockSpec((2, 1), lambda i: (0, 0)),
    pl.BlockSpec((64, 128), lambda i: (0, 0)),
    pl.BlockSpec((64, 1), lambda i: (0, 0)),
    pl.BlockSpec((80, 160), lambda i: (0, 0)),
    pl.BlockSpec((16, 80), lambda i: (0, 0)),
    pl.BlockSpec((80, 16), lambda i: (0, 0)),
    pl.BlockSpec((1, 64), lambda i: (0, 0)),
    pl.BlockSpec((1, 1), lambda i: (0, 0)),
    pl.BlockSpec((80, 5), lambda i: (0, 0)),
]
_ATOM_OUT_SPEC = pl.BlockSpec((SLABS_PER_BLK, 8, 128), lambda i: (i, 0, 0))


def _post_body(parts_ref, g8_ref, out_ref):
    m = parts_ref[0:256, :] + parts_ref[256:512, :]
    mc = m @ g8_ref[...]
    zero = mc[:, 0:16]
    dxy = mc[:, 16:32]
    dyz = mc[:, 32:48]
    dz2 = mc[:, 48:64]
    dzx = mc[:, 64:80]
    dx2y2 = mc[:, 80:96]
    dn = jnp.sqrt(dxy * dxy + dyz * dyz + dz2 * dz2 + dzx * dzx
                  + dx2y2 * dx2y2 + 1e-12)
    sq3dn = SQ3 * (dn - dz2)
    out_ref[0] = sq3dn + dx2y2 + zero
    out_ref[1] = dxy
    out_ref[2] = dzx
    out_ref[3] = dxy
    out_ref[4] = sq3dn - dx2y2 + zero
    out_ref[5] = dyz
    out_ref[6] = dzx
    out_ref[7] = dyz
    out_ref[8] = SQ3 * (dn + 2.0 * dz2) + zero


def _sc_scatter_body(atom_hbm, bidx_hbm, zero_hbm, out_hbm, idx_v, slab_v,
                     rows_v, acc):
    c = lax.axis_index("c")
    s = lax.axis_index("s")
    wid = s * NC + c
    abase = wid * APT

    pltpu.sync_copy(zero_hbm.at[pl.ds(s * ROWS_PER_TILE, ROWS_PER_TILE)],
                    acc.at[pl.ds(s * ROWS_PER_TILE, ROWS_PER_TILE)])
    pltpu.sync_copy(atom_hbm.at[pl.ds(wid * SPT, SPT)], slab_v)

    @pl.when(wid < NW - 1)
    def _():
        pltpu.sync_copy(bidx_hbm.at[pl.ds(abase, APT)], idx_v)

    @pl.when(wid == NW - 1)
    def _():
        pltpu.sync_copy(bidx_hbm.at[pl.ds((NW - 1) * APT, TAIL)],
                        idx_v.at[pl.ds(0, TAIL)])
        zeros16 = jnp.zeros((16,), jnp.int32)

        def _zr(j, carry):
            idx_v[pl.ds(TAIL + j * 16, 16)] = zeros16
            return carry

        lax.fori_loop(0, (APT - TAIL) // 16, _zr, 0)

    iota16 = lax.iota(jnp.int32, 16)

    def _rp(g, carry):
        slab = g // 8
        l16 = (g % 8) * 16
        rowi = g * 16 + iota16
        for r in range(8):
            vals = slab_v[slab, r, pl.ds(l16, 16)]
            plsc.store_scatter(rows_v, [rowi, jnp.full((16,), r, jnp.int32)],
                               vals)
        return carry

    lax.fori_loop(0, APT // 16, _rp, 0)

    plsc.subcore_barrier()
    pltpu.sync_copy(rows_v, acc.at[idx_v], add=True)
    plsc.subcore_barrier()
    pltpu.sync_copy(acc.at[pl.ds(s * ROWS_PER_TILE, ROWS_PER_TILE)],
                    out_hbm.at[pl.ds(c * N_MOL + s * ROWS_PER_TILE,
                                     ROWS_PER_TILE)])


@functools.cache
def _sc_scatter():
    return functools.partial(
        pl.kernel,
        out_type=jax.ShapeDtypeStruct((NC * N_MOL, 8), jnp.float32),
        mesh=plsc.VectorSubcoreMesh(core_axis_name="c",
                                    subcore_axis_name="s"),
        scratch_types=[
            pltpu.VMEM((APT,), jnp.int32),
            pltpu.VMEM((SPT, 8, 128), jnp.float32),
            pltpu.VMEM((APT, 8), jnp.float32),
            pltpu.VMEM_SHARED((N_MOL, 8), jnp.float32),
        ],
        compiler_params=pltpu.CompilerParams(use_tc_tiling_on_sc=False,
                                             needs_layout_passes=False),
    )(_sc_scatter_body)


def kernel(x_scalar, x_spherical, coord, batch_index, sw1, sb1, sw2, sb2,
           pw0, pb0, pw2, qw0, qb0, qw2):
    f32 = jnp.float32
    eye5 = jnp.asarray(np.eye(5, dtype=np.float32))
    w2 = jnp.kron(pw2, eye5) * (1.0 / math.sqrt(32.0))
    q2 = jnp.kron(qw2, eye5) * (1.0 / math.sqrt(16.0))
    s_sum = jnp.asarray(np.kron(np.eye(16, dtype=np.float32),
                                np.ones((5, 1), np.float32)))
    xsph_t = x_spherical.T

    atom = pl.pallas_call(
        _atom_body,
        grid=(GRID,),
        in_specs=_ATOM_IN_SPECS,
        out_specs=_ATOM_OUT_SPEC,
        out_shape=jax.ShapeDtypeStruct((SLABS, 8, 128), f32),
        compiler_params=pltpu.CompilerParams(
            dimension_semantics=("arbitrary",)),
    )(x_scalar, xsph_t, xsph_t, sw1.T, sb1.reshape(1, 64), sw2.T,
      sb2.reshape(2, 1), pw0.T, pb0.reshape(64, 1), w2.T, s_sum.T, s_sum,
      qw0.T, qb0.reshape(1, 1), q2)

    bidx = batch_index.astype(jnp.int32)
    parts = _sc_scatter()(atom, bidx, jnp.zeros((N_MOL, 8), f32))

    g8 = np.zeros((128, 128), np.float32)
    for c in range(8):
        for t in range(16):
            g8[t * 8 + c, c * 16 + t] = 1.0
    out93 = pl.pallas_call(
        _post_body,
        out_shape=jax.ShapeDtypeStruct((9, 256, 16), f32),
    )(parts.reshape(512, 128), jnp.asarray(g8))
    return out93.reshape(3, 3, N_MOL).transpose(2, 0, 1)

# --- scband reference (transcript-rebuilt; emitter-appended) ---
"""Pipeline reference for scband-polar-out-13185549598889 (READ-ONLY COPY).

The authoritative reference and input builder live on the scoring server;
editing this copy changes nothing except your own understanding.
"""

import math
import jax, jax.numpy as jnp
import numpy as np

N = 100000
N_MOL = 4096
SQ3 = 1.0 / math.sqrt(3.0)


def setup_inputs(seed: int = 0):
    key = jax.random.key(seed)
    ks = jax.random.split(key, 10)
    inp = {}
    inp['x_scalar'] = jax.random.normal(ks[0], (N, 128), jnp.float32)
    inp['x_spherical'] = jax.random.normal(ks[1], (N, 480), jnp.float32)
    inp['coord'] = jax.random.normal(ks[2], (N, 3), jnp.float32)
    inp['batch_index'] = jnp.sort(jax.random.randint(ks[3], (N,), 0, N_MOL))
    inp['sw1'] = jax.random.normal(ks[4], (128, 64), jnp.float32) / math.sqrt(128.0)
    inp['sb1'] = jnp.zeros((64,), jnp.float32)
    inp['sw2'] = jax.random.normal(ks[5], (64, 2), jnp.float32) / math.sqrt(64.0)
    inp['sb2'] = jnp.zeros((2,), jnp.float32)
    inp['pw0'] = jax.random.normal(ks[6], (128, 64), jnp.float32)
    inp['pb0'] = jnp.zeros((64,), jnp.float32)
    inp['pw2'] = jax.random.normal(ks[7], (32, 16), jnp.float32)
    inp['qw0'] = jax.random.normal(ks[8], (64, 1), jnp.float32)
    inp['qb0'] = jnp.zeros((1,), jnp.float32)
    inp['qw2'] = jax.random.normal(ks[9], (16, 1), jnp.float32)
    return inp


def reference(x_scalar, x_spherical, coord, batch_index, sw1, sb1, sw2, sb2, pw0, pb0, pw2, qw0, qb0, qw2):
    # scalar_out_mlp: Linear(128,64) -> SiLU -> Linear(64,2)
    h = jax.nn.silu(x_scalar @ sw1 + sb1)
    scalar_out = h @ sw2 + sb2
    # spherical_out_mlp: o3.Linear(128x0e+64x1e+32x2e -> 64x0e+16x2e) -> Gate -> o3.Linear(-> 1x0e+1x2e)
    # o3.Linear only connects equal-l irreps; 1e input block has no output path (faithful to e3nn)
    x0 = x_spherical[:, :128]
    x2 = x_spherical[:, 320:480].reshape(-1, 32, 5)
    h0 = x0 @ pw0 / math.sqrt(128.0) + pb0
    h2 = jnp.einsum('nci,co->noi', x2, pw2) / math.sqrt(32.0)
    # Gate: sigmoid of per-irrep invariant (L2 norm), elementwise scalar multiplication
    h0 = h0 * jax.nn.sigmoid(jnp.abs(h0))
    n2 = jnp.sqrt(jnp.sum(h2 * h2, axis=-1) + 1e-12)
    h2 = h2 * jax.nn.sigmoid(n2)[..., None]
    o0 = h0 @ qw0 / math.sqrt(64.0) + qb0
    o2 = (jnp.einsum('nci,co->noi', h2, qw2) / math.sqrt(16.0)).reshape(-1, 5)
    # rsh_conv: ElementwiseTensorProduct('1x0e + 1x2e', '2x0e')
    atom0 = o0 * scalar_out[:, 0:1]
    atom2 = o2 * scalar_out[:, 1:2]
    atom_out = jnp.concatenate([atom0, atom2], axis=-1)
    # scatter(reduce='sum') over batch_index
    mol_out = jax.ops.segment_sum(atom_out, batch_index, num_segments=N_MOL)
    zero_order = mol_out[:, 0]
    second = mol_out[:, 1:6]
    d_norm = jnp.sqrt(jnp.sum(second * second, axis=-1) + 1e-12)
    dxy, dyz, dz2, dzx, dx2_y2 = second[:, 0], second[:, 1], second[:, 2], second[:, 3], second[:, 4]
    m00 = SQ3 * (d_norm - dz2) + dx2_y2 + zero_order
    m11 = SQ3 * (d_norm - dz2) - dx2_y2 + zero_order
    m22 = SQ3 * (d_norm + 2.0 * dz2) + zero_order
    row0 = jnp.stack([m00, dxy, dzx], axis=-1)
    row1 = jnp.stack([dxy, m11, dyz], axis=-1)
    row2 = jnp.stack([dzx, dyz, m22], axis=-1)
    res = jnp.stack([row0, row1, row2], axis=-2)
    return res

if __name__ == "__main__":
    import jax
    _d = setup_inputs()
    print(jax.jit(kernel)(*tuple(_d.values())))

</pallas_src>

<mosaic_0001>
#map = affine_map<(d0, d1) -> (0, 0, 0)>
#map1 = affine_map<(d0, d1) -> (0)>
#map2 = affine_map<(d0, d1) -> (0, 0)>
module attributes {stable_mosaic.version = 14 : i64} {
  func.func @_sc_scatter_body(%arg0: i32, %arg1: i32, %arg2: memref<800x8x128xf32, #tpu.memory_space<hbm>>, %arg3: memref<100000xi32, #tpu.memory_space<hbm>>, %arg4: memref<4096x8xf32, #tpu.memory_space<hbm>>, %arg5: memref<8192x8xf32, #tpu.memory_space<hbm>>, %arg6: memref<3200xi32, #tpu.memory_space<vmem>>, %arg7: memref<25x8x128xf32, #tpu.memory_space<vmem>>, %arg8: memref<3200x8xf32, #tpu.memory_space<vmem>>, %arg9: memref<4096x8xf32, #tpu.memory_space<vmem_shared>>) attributes {dimension_semantics = [#tpu.dimension_semantics<core_parallel>, #tpu.dimension_semantics<subcore_parallel>], iteration_bounds = array<i64: 2, 16>, scalar_prefetch = 0 : i64, scratch_operands = 4 : i64, tpu.core_type = #tpu.core_type<sc_vector_subcore>, window_params = [{transform_indices = #map}, {transform_indices = #map1}, {transform_indices = #map2}, {transform_indices = #map2}]} {
    %mul3A = arith.constant 2 : i32
    %mul3A_0 = arith.muli %arg1, %mul3A : i32
    %add3A = arith.addi %mul3A_0, %arg0 : i32
    %mul3A_1 = arith.constant 3200 : i32
    %mul3A_2 = arith.muli %add3A, %mul3A_1 : i32
    %mul3A_3 = arith.constant 256 : i32
    %mul3A_4 = arith.muli %arg1, %mul3A_3 : i32
    %mul3A_5 = arith.constant 256 : i32
    %mul3A_6 = arith.muli %arg1, %mul3A_5 : i32
    "tpu.region"() ({
      %run_scoped3A = tpu.sem_alloc : memref<!tpu.dma_semaphore, #tpu.memory_space<semaphore_mem>>
      %dma_start3A = arith.constant 0 : i32
      %dma_start3A_28 = tpu.memref_slice %arg9[%mul3A_6, %dma_start3A] : memref<4096x8xf32, #tpu.memory_space<vmem_shared>> -> memref<256x8xf32, #tpu.memory_space<vmem_shared>>
      %dma_start3A_29 = arith.constant 0 : i32
      %dma_start3A_30 = tpu.memref_slice %arg4[%mul3A_4, %dma_start3A_29] : memref<4096x8xf32, #tpu.memory_space<hbm>> -> memref<256x8xf32, #tpu.memory_space<hbm>>
      tpu.enqueue_dma source(%dma_start3A_30 : memref<256x8xf32, #tpu.memory_space<hbm>>) target(%dma_start3A_28 : memref<256x8xf32, #tpu.memory_space<vmem_shared>>) target_semaphore(%run_scoped3A : memref<!tpu.dma_semaphore, #tpu.memory_space<semaphore_mem>>)
      %dma_wait3A = arith.constant 0 : i32
      %dma_wait3A_31 = tpu.memref_slice %arg9[%mul3A_6, %dma_wait3A] : memref<4096x8xf32, #tpu.memory_space<vmem_shared>> -> memref<256x8xf32, #tpu.memory_space<vmem_shared>>
      %dma_wait3A_32 = arith.constant 0 : i32
      %dma_wait3A_33 = tpu.memref_slice %arg4[%mul3A_4, %dma_wait3A_32] : memref<4096x8xf32, #tpu.memory_space<hbm>> -> memref<256x8xf32, #tpu.memory_space<hbm>>
      tpu.wait_dma2 semaphore(%run_scoped3A : memref<!tpu.dma_semaphore, #tpu.memory_space<semaphore_mem>>) src(%dma_wait3A_33 : memref<256x8xf32, #tpu.memory_space<hbm>>) dst(%dma_wait3A_31 : memref<256x8xf32, #tpu.memory_space<vmem_shared>>)
      tpu.yield
    }) : () -> ()
    %mul3A_7 = arith.constant 25 : i32
    %mul3A_8 = arith.muli %add3A, %mul3A_7 : i32
    "tpu.region"() ({
      %run_scoped3A = tpu.sem_alloc : memref<!tpu.dma_semaphore, #tpu.memory_space<semaphore_mem>>
      %dma_start3A = arith.constant 0 : i32
      %dma_start3A_28 = arith.constant 0 : i32
      %dma_start3A_29 = tpu.memref_slice %arg2[%mul3A_8, %dma_start3A, %dma_start3A_28] : memref<800x8x128xf32, #tpu.memory_space<hbm>> -> memref<25x8x128xf32, #tpu.memory_space<hbm>>
      %dma_start3A_30 = arith.constant 0 : i32
      %dma_start3A_31 = arith.constant 0 : i32
      %dma_start3A_32 = tpu.memref_slice %arg2[%mul3A_8, %dma_start3A_30, %dma_start3A_31] : memref<800x8x128xf32, #tpu.memory_space<hbm>> -> memref<25x8x128xf32, #tpu.memory_space<hbm>>
      tpu.enqueue_dma source(%dma_start3A_32 : memref<25x8x128xf32, #tpu.memory_space<hbm>>) target(%arg7 : memref<25x8x128xf32, #tpu.memory_space<vmem>>) target_semaphore(%run_scoped3A : memref<!tpu.dma_semaphore, #tpu.memory_space<semaphore_mem>>)
      %dma_wait3A = arith.constant 0 : i32
      %dma_wait3A_33 = arith.constant 0 : i32
      %dma_wait3A_34 = tpu.memref_slice %arg2[%mul3A_8, %dma_wait3A, %dma_wait3A_33] : memref<800x8x128xf32, #tpu.memory_space<hbm>> -> memref<25x8x128xf32, #tpu.memory_space<hbm>>
      %dma_wait3A_35 = arith.constant 0 : i32
      %dma_wait3A_36 = arith.constant 0 : i32
      %dma_wait3A_37 = tpu.memref_slice %arg2[%mul3A_8, %dma_wait3A_35, %dma_wait3A_36] : memref<800x8x128xf32, #tpu.memory_space<hbm>> -> memref<25x8x128xf32, #tpu.memory_space<hbm>>
      tpu.wait_dma2 semaphore(%run_scoped3A : memref<!tpu.dma_semaphore, #tpu.memory_space<semaphore_mem>>) src(%dma_wait3A_37 : memref<25x8x128xf32, #tpu.memory_space<hbm>>) dst(%arg7 : memref<25x8x128xf32, #tpu.memory_space<vmem>>)
      tpu.yield
    }) : () -> ()
    %lt3A = arith.constant 31 : i32
    %lt3A_9 = arith.cmpi slt, %add3A, %lt3A : i32
    %convert_element_type3A = arith.extui %lt3A_9 : i1 to i32
    %cond3A = arith.constant 0 : i32
    %cond3A_10 = arith.cmpi ne, %convert_element_type3A, %cond3A : i32
    scf.if %cond3A_10 {
      "tpu.region"() ({
        %run_scoped3A = tpu.sem_alloc : memref<!tpu.dma_semaphore, #tpu.memory_space<semaphore_mem>>
        %dma_start3A = tpu.memref_slice %arg3[%mul3A_2] : memref<100000xi32, #tpu.memory_space<hbm>> -> memref<3200xi32, #tpu.memory_space<hbm>>
        %dma_start3A_28 = tpu.memref_slice %arg3[%mul3A_2] : memref<100000xi32, #tpu.memory_space<hbm>> -> memref<3200xi32, #tpu.memory_space<hbm>>
        tpu.enqueue_dma source(%dma_start3A_28 : memref<3200xi32, #tpu.memory_space<hbm>>) target(%arg6 : memref<3200xi32, #tpu.memory_space<vmem>>) target_semaphore(%run_scoped3A : memref<!tpu.dma_semaphore, #tpu.memory_space<semaphore_mem>>)
        %dma_wait3A = tpu.memref_slice %arg3[%mul3A_2] : memref<100000xi32, #tpu.memory_space<hbm>> -> memref<3200xi32, #tpu.memory_space<hbm>>
        %dma_wait3A_29 = tpu.memref_slice %arg3[%mul3A_2] : memref<100000xi32, #tpu.memory_space<hbm>> -> memref<3200xi32, #tpu.memory_space<hbm>>
        tpu.wait_dma2 semaphore(%run_scoped3A : memref<!tpu.dma_semaphore, #tpu.memory_space<semaphore_mem>>) src(%dma_wait3A_29 : memref<3200xi32, #tpu.memory_space<hbm>>) dst(%arg6 : memref<3200xi32, #tpu.memory_space<vmem>>)
        tpu.yield
      }) : () -> ()
    } else {
    }
    %eq3A = arith.constant 31 : i32
    %eq3A_11 = arith.cmpi eq, %add3A, %eq3A : i32
    %convert_element_type3A_12 = arith.extui %eq3A_11 : i1 to i32
    %cond3A_13 = arith.constant 0 : i32
    %cond3A_14 = arith.cmpi ne, %convert_element_type3A_12, %cond3A_13 : i32
    scf.if %cond3A_14 {
      "tpu.region"() ({
        %run_scoped3A = tpu.sem_alloc : memref<!tpu.dma_semaphore, #tpu.memory_space<semaphore_mem>>
        %dma_start3A = arith.constant 0 : i32
        %dma_start3A_35 = tpu.memref_slice %arg6[%dma_start3A] : memref<3200xi32, #tpu.memory_space<vmem>> -> memref<800xi32, #tpu.memory_space<vmem>>
        %dma_start3A_36 = arith.constant 99200 : i32
        %dma_start3A_37 = tpu.memref_slice %arg3[%dma_start3A_36] : memref<100000xi32, #tpu.memory_space<hbm>> -> memref<800xi32, #tpu.memory_space<hbm>>
        %dma_start3A_38 = arith.constant 0 : i32
        %dma_start3A_39 = tpu.memref_slice %arg6[%dma_start3A_38] : memref<3200xi32, #tpu.memory_space<vmem>> -> memref<800xi32, #tpu.memory_space<vmem>>
        %dma_start3A_40 = arith.constant 99200 : i32
        %dma_start3A_41 = tpu.memref_slice %arg3[%dma_start3A_40] : memref<100000xi32, #tpu.memory_space<hbm>> -> memref<800xi32, #tpu.memory_space<hbm>>
        tpu.enqueue_dma source(%dma_start3A_41 : memref<800xi32, #tpu.memory_space<hbm>>) target(%dma_start3A_39 : memref<800xi32, #tpu.memory_space<vmem>>) target_semaphore(%run_scoped3A : memref<!tpu.dma_semaphore, #tpu.memory_space<semaphore_mem>>)
        %dma_wait3A = arith.constant 0 : i32
        %dma_wait3A_42 = tpu.memref_slice %arg6[%dma_wait3A] : memref<3200xi32, #tpu.memory_space<vmem>> -> memref<800xi32, #tpu.memory_space<vmem>>
        %dma_wait3A_43 = arith.constant 99200 : i32
        %dma_wait3A_44 = tpu.memref_slice %arg3[%dma_wait3A_43] : memref<100000xi32, #tpu.memory_space<hbm>> -> memref<800xi32, #tpu.memory_space<hbm>>
        %dma_wait3A_45 = arith.constant 0 : i32
        %dma_wait3A_46 = tpu.memref_slice %arg6[%dma_wait3A_45] : memref<3200xi32, #tpu.memory_space<vmem>> -> memref<800xi32, #tpu.memory_space<vmem>>
        %dma_wait3A_47 = arith.constant 99200 : i32
        %dma_wait3A_48 = tpu.memref_slice %arg3[%dma_wait3A_47] : memref<100000xi32, #tpu.memory_space<hbm>> -> memref<800xi32, #tpu.memory_space<hbm>>
        tpu.wait_dma2 semaphore(%run_scoped3A : memref<!tpu.dma_semaphore, #tpu.memory_space<semaphore_mem>>) src(%dma_wait3A_48 : memref<800xi32, #tpu.memory_space<hbm>>) dst(%dma_wait3A_46 : memref<800xi32, #tpu.memory_space<vmem>>)
        tpu.yield
      }) : () -> ()
      %broadcast_in_dim3A = arith.constant 0 : i32
      %broadcast_in_dim3A_28 = vector.broadcast %broadcast_in_dim3A : i32 to vector<16xi32>
      %scan3A_29 = arith.constant 0 : i32
      %scan3A_30 = arith.constant 0 : i32
      %scan3A_31 = arith.constant 150 : i32
      %scan3A_32 = arith.addi %scan3A_30, %scan3A_31 : i32
      %scan3A_33 = arith.constant 1 : i32
      scf.for %scan3A_35 = %scan3A_30 to %scan3A_32 step %scan3A_33  : i32 {
        %mul3A_36 = arith.constant 16 : i32
        %mul3A_37 = arith.muli %scan3A_35, %mul3A_36 : i32
        %add3A_38 = arith.constant 800 : i32
        %add3A_39 = arith.addi %add3A_38, %mul3A_37 : i32
        %swap3A = arith.index_cast %add3A_39 : i32 to index
        %swap3A_40 = tpu.vector_load %arg6[%swap3A] {strides = array<i32>} : memref<3200xi32, #tpu.memory_space<vmem>>, vector<16xi32>,
        tpu.vector_store %arg6[%swap3A], %broadcast_in_dim3A_28 {strides = array<i32>} : memref<3200xi32, #tpu.memory_space<vmem>>, vector<16xi32>,
      }
      %scan3A_34 = arith.constant 150 : i32
    } else {
    }
    %iota3A = tpu.iota {dimensions = array<i32: 0>} : vector<16xi32>
    %scan3A = arith.constant 0 : i32
    %scan3A_15 = arith.constant 0 : i32
    %scan3A_16 = arith.constant 200 : i32
    %scan3A_17 = arith.addi %scan3A_15, %scan3A_16 : i32
    %scan3A_18 = arith.constant 1 : i32
    scf.for %scan3A_28 = %scan3A_15 to %scan3A_17 step %scan3A_18  : i32 {
      %jit3A = arith.constant 8 : i32
      %div3A = arith.divsi %scan3A_28, %jit3A : i32
      %sign3A = arith.constant 0 : i32
      %sign3A_29 = arith.cmpi sgt, %scan3A_28, %sign3A : i32
      %sign3A_30 = arith.extui %sign3A_29 : i1 to i32
      %sign3A_31 = arith.constant 0 : i32
      %sign3A_32 = arith.cmpi slt, %scan3A_28, %sign3A_31 : i32
      %sign3A_33 = arith.extui %sign3A_32 : i1 to i32
      %sign3A_34 = arith.subi %sign3A_30, %sign3A_33 : i32
      %sign3A_35 = arith.constant 0 : i32
      %sign3A_36 = arith.cmpi sgt, %jit3A, %sign3A_35 : i32
      %sign3A_37 = arith.extui %sign3A_36 : i1 to i32
      %sign3A_38 = arith.constant 0 : i32
      %sign3A_39 = arith.cmpi slt, %jit3A, %sign3A_38 : i32
      %sign3A_40 = arith.extui %sign3A_39 : i1 to i32
      %sign3A_41 = arith.subi %sign3A_37, %sign3A_40 : i32
      %ne3A = arith.cmpi ne, %sign3A_34, %sign3A_41 : i32
      %rem3A = arith.remsi %scan3A_28, %jit3A : i32
      %ne3A_42 = arith.constant 0 : i32
      %ne3A_43 = arith.cmpi ne, %rem3A, %ne3A_42 : i32
      %and3A = arith.andi %ne3A, %ne3A_43 : i1
      %sub3A = arith.constant 1 : i32
      %sub3A_44 = arith.subi %div3A, %sub3A : i32
      %select_n3A = arith.select %and3A, %sub3A_44, %div3A : i32
      %jit3A_45 = arith.constant 8 : i32
      %eq3A_46 = arith.constant 0 : i32
      %eq3A_47 = arith.cmpi eq, %jit3A_45, %eq3A_46 : i32
      %jit3A_48 = arith.constant 1 : i32
      %select_n3A_49 = arith.select %eq3A_47, %jit3A_48, %jit3A_45 : i32
      %rem3A_50 = arith.remsi %scan3A_28, %select_n3A_49 : i32
      %ne3A_51 = arith.constant 0 : i32
      %ne3A_52 = arith.cmpi ne, %rem3A_50, %ne3A_51 : i32
      %lt3A_53 = arith.constant 0 : i32
      %lt3A_54 = arith.cmpi slt, %rem3A_50, %lt3A_53 : i32
      %lt3A_55 = arith.constant 0 : i32
      %lt3A_56 = arith.cmpi slt, %select_n3A_49, %lt3A_55 : i32
      %ne3A_57 = arith.xori %lt3A_54, %lt3A_56 : i1
      %and3A_58 = arith.andi %ne3A_57, %ne3A_52 : i1
      %add3A_59 = arith.addi %rem3A_50, %select_n3A_49 : i32
      %select_n3A_60 = arith.select %and3A_58, %add3A_59, %rem3A_50 : i32
      %mul3A_61 = arith.constant 16 : i32
      %mul3A_62 = arith.muli %select_n3A_60, %mul3A_61 : i32
      %mul3A_63 = arith.constant 16 : i32
      %mul3A_64 = arith.muli %scan3A_28, %mul3A_63 : i32
      %add3A_65 = vector.broadcast %mul3A_64 : i32 to vector<16xi32>
      %add3A_66 = arith.addi %add3A_65, %iota3A : vector<16xi32>
      %get3A = arith.constant 0 : i32
      %get3A_67 = arith.index_cast %select_n3A : i32 to index
      %get3A_68 = arith.index_cast %get3A : i32 to index
      %get3A_69 = arith.index_cast %mul3A_62 : i32 to index
      %get3A_70 = tpu.vector_load %arg7[%get3A_67, %get3A_68, %get3A_69] {strides = array<i32>} : memref<25x8x128xf32, #tpu.memory_space<vmem>>, vector<16xf32>,
      %broadcast_in_dim3A = arith.constant 0 : i32
      %broadcast_in_dim3A_71 = vector.broadcast %broadcast_in_dim3A : i32 to vector<16xi32>
      tpu.vector_store_idx %arg8[%add3A_66, %broadcast_in_dim3A_71], %get3A_70 : memref<3200x8xf32, #tpu.memory_space<vmem>>[vector<16xi32>, vector<16xi32>], vector<16xf32>,
      %get3A_72 = arith.constant 1 : i32
      %get3A_73 = arith.index_cast %select_n3A : i32 to index
      %get3A_74 = arith.index_cast %get3A_72 : i32 to index
      %get3A_75 = arith.index_cast %mul3A_62 : i32 to index
      %get3A_76 = tpu.vector_load %arg7[%get3A_73, %get3A_74, %get3A_75] {strides = array<i32>} : memref<25x8x128xf32, #tpu.memory_space<vmem>>, vector<16xf32>,
      %broadcast_in_dim3A_77 = arith.constant 1 : i32
      %broadcast_in_dim3A_78 = vector.broadcast %broadcast_in_dim3A_77 : i32 to vector<16xi32>
      tpu.vector_store_idx %arg8[%add3A_66, %broadcast_in_dim3A_78], %get3A_76 : memref<3200x8xf32, #tpu.memory_space<vmem>>[vector<16xi32>, vector<16xi32>], vector<16xf32>,
      %get3A_79 = arith.constant 2 : i32
      %get3A_80 = arith.index_cast %select_n3A : i32 to index
      %get3A_81 = arith.index_cast %get3A_79 : i32 to index
      %get3A_82 = arith.index_cast %mul3A_62 : i32 to index
      %get3A_83 = tpu.vector_load %arg7[%get3A_80, %get3A_81, %get3A_82] {strides = array<i32>} : memref<25x8x128xf32, #tpu.memory_space<vmem>>, vector<16xf32>,
      %broadcast_in_dim3A_84 = arith.constant 2 : i32
      %broadcast_in_dim3A_85 = vector.broadcast %broadcast_in_dim3A_84 : i32 to vector<16xi32>
      tpu.vector_store_idx %arg8[%add3A_66, %broadcast_in_dim3A_85], %get3A_83 : memref<3200x8xf32, #tpu.memory_space<vmem>>[vector<16xi32>, vector<16xi32>], vector<16xf32>,
      %get3A_86 = arith.constant 3 : i32
      %get3A_87 = arith.index_cast %select_n3A : i32 to index
      %get3A_88 = arith.index_cast %get3A_86 : i32 to index
      %get3A_89 = arith.index_cast %mul3A_62 : i32 to index
      %get3A_90 = tpu.vector_load %arg7[%get3A_87, %get3A_88, %get3A_89] {strides = array<i32>} : memref<25x8x128xf32, #tpu.memory_space<vmem>>, vector<16xf32>,
      %broadcast_in_dim3A_91 = arith.constant 3 : i32
      %broadcast_in_dim3A_92 = vector.broadcast %broadcast_in_dim3A_91 : i32 to vector<16xi32>
      tpu.vector_store_idx %arg8[%add3A_66, %broadcast_in_dim3A_92], %get3A_90 : memref<3200x8xf32, #tpu.memory_space<vmem>>[vector<16xi32>, vector<16xi32>], vector<16xf32>,
      %get3A_93 = arith.constant 4 : i32
      %get3A_94 = arith.index_cast %select_n3A : i32 to index
      %get3A_95 = arith.index_cast %get3A_93 : i32 to index
      %get3A_96 = arith.index_cast %mul3A_62 : i32 to index
      %get3A_97 = tpu.vector_load %arg7[%get3A_94, %get3A_95, %get3A_96] {strides = array<i32>} : memref<25x8x128xf32, #tpu.memory_space<vmem>>, vector<16xf32>,
      %broadcast_in_dim3A_98 = arith.constant 4 : i32
      %broadcast_in_dim3A_99 = vector.broadcast %broadcast_in_dim3A_98 : i32 to vector<16xi32>
      tpu.vector_store_idx %arg8[%add3A_66, %broadcast_in_dim3A_99], %get3A_97 : memref<3200x8xf32, #tpu.memory_space<vmem>>[vector<16xi32>, vector<16xi32>], vector<16xf32>,
      %get3A_100 = arith.constant 5 : i32
      %get3A_101 = arith.index_cast %select_n3A : i32 to index
      %get3A_102 = arith.index_cast %get3A_100 : i32 to index
      %get3A_103 = arith.index_cast %mul3A_62 : i32 to index
      %get3A_104 = tpu.vector_load %arg7[%get3A_101, %get3A_102, %get3A_103] {strides = array<i32>} : memref<25x8x128xf32, #tpu.memory_space<vmem>>, vector<16xf32>,
      %broadcast_in_dim3A_105 = arith.constant 5 : i32
      %broadcast_in_dim3A_106 = vector.broadcast %broadcast_in_dim3A_105 : i32 to vector<16xi32>
      tpu.vector_store_idx %arg8[%add3A_66, %broadcast_in_dim3A_106], %get3A_104 : memref<3200x8xf32, #tpu.memory_space<vmem>>[vector<16xi32>, vector<16xi32>], vector<16xf32>,
      %get3A_107 = arith.constant 6 : i32
      %get3A_108 = arith.index_cast %select_n3A : i32 to index
      %get3A_109 = arith.index_cast %get3A_107 : i32 to index
      %get3A_110 = arith.index_cast %mul3A_62 : i32 to index
      %get3A_111 = tpu.vector_load %arg7[%get3A_108, %get3A_109, %get3A_110] {strides = array<i32>} : memref<25x8x128xf32, #tpu.memory_space<vmem>>, vector<16xf32>,
      %broadcast_in_dim3A_112 = arith.constant 6 : i32
      %broadcast_in_dim3A_113 = vector.broadcast %broadcast_in_dim3A_112 : i32 to vector<16xi32>
      tpu.vector_store_idx %arg8[%add3A_66, %broadcast_in_dim3A_113], %get3A_111 : memref<3200x8xf32, #tpu.memory_space<vmem>>[vector<16xi32>, vector<16xi32>], vector<16xf32>,
      %get3A_114 = arith.constant 7 : i32
      %get3A_115 = arith.index_cast %select_n3A : i32 to index
      %get3A_116 = arith.index_cast %get3A_114 : i32 to index
      %get3A_117 = arith.index_cast %mul3A_62 : i32 to index
      %get3A_118 = tpu.vector_load %arg7[%get3A_115, %get3A_116, %get3A_117] {strides = array<i32>} : memref<25x8x128xf32, #tpu.memory_space<vmem>>, vector<16xf32>,
      %broadcast_in_dim3A_119 = arith.constant 7 : i32
      %broadcast_in_dim3A_120 = vector.broadcast %broadcast_in_dim3A_119 : i32 to vector<16xi32>
      tpu.vector_store_idx %arg8[%add3A_66, %broadcast_in_dim3A_120], %get3A_118 : memref<3200x8xf32, #tpu.memory_space<vmem>>[vector<16xi32>, vector<16xi32>], vector<16xf32>,
    }
    %scan3A_19 = arith.constant 200 : i32
    %barrier3A = arith.constant 0 : index
    tpu.barrier barrier_id(%barrier3A)
    "tpu.region"() ({
      %run_scoped3A = tpu.sem_alloc : memref<!tpu.dma_semaphore, #tpu.memory_space<semaphore_mem>>
      %dma_start3A = arith.constant 0 : i32
      %dma_start3A_28 = arith.constant 0 : i32
      %dma_start3A_29 = tpu.memref_slice %arg9[%dma_start3A, %dma_start3A_28] : memref<4096x8xf32, #tpu.memory_space<vmem_shared>> -> memref<4096x8xf32, #tpu.memory_space<vmem_shared>>
      tpu.enqueue_indirect_dma source(%arg8 : memref<3200x8xf32, #tpu.memory_space<vmem>>) target(%dma_start3A_29 : memref<4096x8xf32, #tpu.memory_space<vmem_shared>>) offsets(%arg6 : memref<3200xi32, #tpu.memory_space<vmem>>) semaphore(%run_scoped3A : memref<!tpu.dma_semaphore, #tpu.memory_space<semaphore_mem>>) {add = true}
      %dma_wait3A = arith.constant 0 : i32
      %dma_wait3A_30 = arith.constant 0 : i32
      %dma_wait3A_31 = tpu.memref_slice %arg9[%dma_wait3A, %dma_wait3A_30] : memref<4096x8xf32, #tpu.memory_space<vmem_shared>> -> memref<4096x8xf32, #tpu.memory_space<vmem_shared>>
      tpu.wait_indirect_dma semaphore(%run_scoped3A : memref<!tpu.dma_semaphore, #tpu.memory_space<semaphore_mem>>) src(%arg8 : memref<3200x8xf32, #tpu.memory_space<vmem>>) dst(%dma_wait3A_31 : memref<4096x8xf32, #tpu.memory_space<vmem_shared>>)
      tpu.yield
    }) : () -> ()
    %barrier3A_20 = arith.constant 0 : index
    tpu.barrier barrier_id(%barrier3A_20)
    %mul3A_21 = arith.constant 256 : i32
    %mul3A_22 = arith.muli %arg1, %mul3A_21 : i32
    %mul3A_23 = arith.constant 4096 : i32
    %mul3A_24 = arith.muli %arg0, %mul3A_23 : i32
    %mul3A_25 = arith.constant 256 : i32
    %mul3A_26 = arith.muli %arg1, %mul3A_25 : i32
    %add3A_27 = arith.addi %mul3A_24, %mul3A_26 : i32
    "tpu.region"() ({
      %run_scoped3A = tpu.sem_alloc : memref<!tpu.dma_semaphore, #tpu.memory_space<semaphore_mem>>
      %dma_start3A = arith.constant 0 : i32
      %dma_start3A_28 = tpu.memref_slice %arg5[%add3A_27, %dma_start3A] : memref<8192x8xf32, #tpu.memory_space<hbm>> -> memref<256x8xf32, #tpu.memory_space<hbm>>
      %dma_start3A_29 = arith.constant 0 : i32
      %dma_start3A_30 = tpu.memref_slice %arg9[%mul3A_22, %dma_start3A_29] : memref<4096x8xf32, #tpu.memory_space<vmem_shared>> -> memref<256x8xf32, #tpu.memory_space<vmem_shared>>
      tpu.enqueue_dma source(%dma_start3A_30 : memref<256x8xf32, #tpu.memory_space<vmem_shared>>) target(%dma_start3A_28 : memref<256x8xf32, #tpu.memory_space<hbm>>) target_semaphore(%run_scoped3A : memref<!tpu.dma_semaphore, #tpu.memory_space<semaphore_mem>>)
      %dma_wait3A = arith.constant 0 : i32
      %dma_wait3A_31 = tpu.memref_slice %arg5[%add3A_27, %dma_wait3A] : memref<8192x8xf32, #tpu.memory_space<hbm>> -> memref<256x8xf32, #tpu.memory_space<hbm>>
      %dma_wait3A_32 = arith.constant 0 : i32
      %dma_wait3A_33 = tpu.memref_slice %arg9[%mul3A_22, %dma_wait3A_32] : memref<4096x8xf32, #tpu.memory_space<vmem_shared>> -> memref<256x8xf32, #tpu.memory_space<vmem_shared>>
      tpu.wait_dma2 semaphore(%run_scoped3A : memref<!tpu.dma_semaphore, #tpu.memory_space<semaphore_mem>>) src(%dma_wait3A_33 : memref<256x8xf32, #tpu.memory_space<vmem_shared>>) dst(%dma_wait3A_31 : memref<256x8xf32, #tpu.memory_space<hbm>>)
      tpu.yield
    }) : () -> ()
    return
  }
}

module attributes {stable_mosaic.version = 14 : i64} {
  func.func @_post_body(%arg0: memref<512x128xf32, #tpu.memory_space<vmem>>, %arg1: memref<128x128xf32, #tpu.memory_space<vmem>>, %arg2: memref<9x256x16xf32, #tpu.memory_space<vmem>>) attributes {dimension_semantics = [], scalar_prefetch = 0 : i64, scratch_operands = 0 : i64, tpu.core_type = #tpu.core_type<tc>} {
    %get3A = arith.constant 0 : index
    %get3A_0 = arith.constant 0 : index
    %get3A_1 = vector.load %arg0[%get3A, %get3A_0] : memref<512x128xf32, #tpu.memory_space<vmem>>, vector<256x128xf32>
    %get3A_2 = arith.constant 256 : index
    %get3A_3 = arith.constant 0 : index
    %get3A_4 = vector.load %arg0[%get3A_2, %get3A_3] : memref<512x128xf32, #tpu.memory_space<vmem>>, vector<256x128xf32>
    %add3A = arith.addf %get3A_1, %get3A_4 : vector<256x128xf32>
    %get3A_5 = arith.constant 0 : index
    %get3A_6 = arith.constant 0 : index
    %get3A_7 = vector.load %arg1[%get3A_5, %get3A_6] : memref<128x128xf32, #tpu.memory_space<vmem>>, vector<128x128xf32>
    %dot_general3A = arith.constant dense<0.000000e+00> : vector<256x128xf32>
    %dot_general3A_8 = tpu.matmul %add3A, %get3A_7, %dot_general3A {dimension_numbers = #tpu.dot_dimension_numbers<[1], [0], [0], [1], [0, 0, 1, 1], [], []>, transpose_lhs_hint = false} : vector<256x128xf32>, vector<128x128xf32>, vector<256x128xf32> -> vector<256x128xf32>
    %slice3A = vector.extract_strided_slice %dot_general3A_8 {offsets = [0, 0], sizes = [256, 16], strides = [1, 1]} : vector<256x128xf32> to vector<256x16xf32>
    %slice3A_9 = vector.extract_strided_slice %dot_general3A_8 {offsets = [0, 16], sizes = [256, 16], strides = [1, 1]} : vector<256x128xf32> to vector<256x16xf32>
    %slice3A_10 = vector.extract_strided_slice %dot_general3A_8 {offsets = [0, 32], sizes = [256, 16], strides = [1, 1]} : vector<256x128xf32> to vector<256x16xf32>
    %slice3A_11 = vector.extract_strided_slice %dot_general3A_8 {offsets = [0, 48], sizes = [256, 16], strides = [1, 1]} : vector<256x128xf32> to vector<256x16xf32>
    %slice3A_12 = vector.extract_strided_slice %dot_general3A_8 {offsets = [0, 64], sizes = [256, 16], strides = [1, 1]} : vector<256x128xf32> to vector<256x16xf32>
    %slice3A_13 = vector.extract_strided_slice %dot_general3A_8 {offsets = [0, 80], sizes = [256, 16], strides = [1, 1]} : vector<256x128xf32> to vector<256x16xf32>
    %mul3A = arith.mulf %slice3A_9, %slice3A_9 : vector<256x16xf32>
    %mul3A_14 = arith.mulf %slice3A_10, %slice3A_10 : vector<256x16xf32>
    %add3A_15 = arith.addf %mul3A, %mul3A_14 : vector<256x16xf32>
    %mul3A_16 = arith.mulf %slice3A_11, %slice3A_11 : vector<256x16xf32>
    %add3A_17 = arith.addf %add3A_15, %mul3A_16 : vector<256x16xf32>
    %mul3A_18 = arith.mulf %slice3A_12, %slice3A_12 : vector<256x16xf32>
    %add3A_19 = arith.addf %add3A_17, %mul3A_18 : vector<256x16xf32>
    %mul3A_20 = arith.mulf %slice3A_13, %slice3A_13 : vector<256x16xf32>
    %add3A_21 = arith.addf %add3A_19, %mul3A_20 : vector<256x16xf32>
    %add3A_22 = arith.constant 9.99999996E-13 : f32
    %add3A_23 = vector.broadcast %add3A_22 : f32 to vector<256x16xf32>
    %add3A_24 = arith.addf %add3A_21, %add3A_23 : vector<256x16xf32>
    %sqrt3A = math.sqrt %add3A_24 : vector<256x16xf32>
    %sub3A = arith.subf %sqrt3A, %slice3A_11 : vector<256x16xf32>
    %mul3A_25 = arith.constant 0.577350259 : f32
    %mul3A_26 = vector.broadcast %mul3A_25 : f32 to vector<256x16xf32>
    %mul3A_27 = arith.mulf %mul3A_26, %sub3A : vector<256x16xf32>
    %add3A_28 = arith.addf %mul3A_27, %slice3A_13 : vector<256x16xf32>
    %add3A_29 = arith.addf %add3A_28, %slice3A : vector<256x16xf32>
    %swap3A = arith.constant 0 : index
    %swap3A_30 = arith.constant 0 : index
    %swap3A_31 = arith.constant 0 : index
    %swap3A_32 = vector.load %arg2[%swap3A, %swap3A_30, %swap3A_31] : memref<9x256x16xf32, #tpu.memory_space<vmem>>, vector<1x256x16xf32>
    %swap3A_33 = vector.shape_cast %swap3A_32 : vector<1x256x16xf32> to vector<256x16xf32>
    %swap3A_34 = vector.shape_cast %add3A_29 : vector<256x16xf32> to vector<1x256x16xf32>
    tpu.vector_store %arg2[%swap3A, %swap3A_30, %swap3A_31], %swap3A_34 {strides = array<i32>} : memref<9x256x16xf32, #tpu.memory_space<vmem>>, vector<1x256x16xf32>,
    %swap3A_35 = arith.constant 1 : index
    %swap3A_36 = arith.constant 0 : index
    %swap3A_37 = arith.constant 0 : index
    %swap3A_38 = vector.load %arg2[%swap3A_35, %swap3A_36, %swap3A_37] : memref<9x256x16xf32, #tpu.memory_space<vmem>>, vector<1x256x16xf32>
    %swap3A_39 = vector.shape_cast %swap3A_38 : vector<1x256x16xf32> to vector<256x16xf32>
    %swap3A_40 = vector.shape_cast %slice3A_9 : vector<256x16xf32> to vector<1x256x16xf32>
    tpu.vector_store %arg2[%swap3A_35, %swap3A_36, %swap3A_37], %swap3A_40 {strides = array<i32>} : memref<9x256x16xf32, #tpu.memory_space<vmem>>, vector<1x256x16xf32>,
    %swap3A_41 = arith.constant 2 : index
    %swap3A_42 = arith.constant 0 : index
    %swap3A_43 = arith.constant 0 : index
    %swap3A_44 = vector.load %arg2[%swap3A_41, %swap3A_42, %swap3A_43] : memref<9x256x16xf32, #tpu.memory_space<vmem>>, vector<1x256x16xf32>
    %swap3A_45 = vector.shape_cast %swap3A_44 : vector<1x256x16xf32> to vector<256x16xf32>
    %swap3A_46 = vector.shape_cast %slice3A_12 : vector<256x16xf32> to vector<1x256x16xf32>
    tpu.vector_store %arg2[%swap3A_41, %swap3A_42, %swap3A_43], %swap3A_46 {strides = array<i32>} : memref<9x256x16xf32, #tpu.memory_space<vmem>>, vector<1x256x16xf32>,
    %swap3A_47 = arith.constant 3 : index
    %swap3A_48 = arith.constant 0 : index
    %swap3A_49 = arith.constant 0 : index
    %swap3A_50 = vector.load %arg2[%swap3A_47, %swap3A_48, %swap3A_49] : memref<9x256x16xf32, #tpu.memory_space<vmem>>, vector<1x256x16xf32>
    %swap3A_51 = vector.shape_cast %swap3A_50 : vector<1x256x16xf32> to vector<256x16xf32>
    %swap3A_52 = vector.shape_cast %slice3A_9 : vector<256x16xf32> to vector<1x256x16xf32>
    tpu.vector_store %arg2[%swap3A_47, %swap3A_48, %swap3A_49], %swap3A_52 {strides = array<i32>} : memref<9x256x16xf32, #tpu.memory_space<vmem>>, vector<1x256x16xf32>,
    %sub3A_53 = arith.subf %mul3A_27, %slice3A_13 : vector<256x16xf32>
    %add3A_54 = arith.addf %sub3A_53, %slice3A : vector<256x16xf32>
    %swap3A_55 = arith.constant 4 : index
    %swap3A_56 = arith.constant 0 : index
    %swap3A_57 = arith.constant 0 : index
    %swap3A_58 = vector.load %arg2[%swap3A_55, %swap3A_56, %swap3A_57] : memref<9x256x16xf32, #tpu.memory_space<vmem>>, vector<1x256x16xf32>
    %swap3A_59 = vector.shape_cast %swap3A_58 : vector<1x256x16xf32> to vector<256x16xf32>
    %swap3A_60 = vector.shape_cast %add3A_54 : vector<256x16xf32> to vector<1x256x16xf32>
    tpu.vector_store %arg2[%swap3A_55, %swap3A_56, %swap3A_57], %swap3A_60 {strides = array<i32>} : memref<9x256x16xf32, #tpu.memory_space<vmem>>, vector<1x256x16xf32>,
    %swap3A_61 = arith.constant 5 : index
    %swap3A_62 = arith.constant 0 : index
    %swap3A_63 = arith.constant 0 : index
    %swap3A_64 = vector.load %arg2[%swap3A_61, %swap3A_62, %swap3A_63] : memref<9x256x16xf32, #tpu.memory_space<vmem>>, vector<1x256x16xf32>
    %swap3A_65 = vector.shape_cast %swap3A_64 : vector<1x256x16xf32> to vector<256x16xf32>
    %swap3A_66 = vector.shape_cast %slice3A_10 : vector<256x16xf32> to vector<1x256x16xf32>
    tpu.vector_store %arg2[%swap3A_61, %swap3A_62, %swap3A_63], %swap3A_66 {strides = array<i32>} : memref<9x256x16xf32, #tpu.memory_space<vmem>>, vector<1x256x16xf32>,
    %swap3A_67 = arith.constant 6 : index
    %swap3A_68 = arith.constant 0 : index
    %swap3A_69 = arith.constant 0 : index
    %swap3A_70 = vector.load %arg2[%swap3A_67, %swap3A_68, %swap3A_69] : memref<9x256x16xf32, #tpu.memory_space<vmem>>, vector<1x256x16xf32>
    %swap3A_71 = vector.shape_cast %swap3A_70 : vector<1x256x16xf32> to vector<256x16xf32>
    %swap3A_72 = vector.shape_cast %slice3A_12 : vector<256x16xf32> to vector<1x256x16xf32>
    tpu.vector_store %arg2[%swap3A_67, %swap3A_68, %swap3A_69], %swap3A_72 {strides = array<i32>} : memref<9x256x16xf32, #tpu.memory_space<vmem>>, vector<1x256x16xf32>,
    %swap3A_73 = arith.constant 7 : index
    %swap3A_74 = arith.constant 0 : index
    %swap3A_75 = arith.constant 0 : index
    %swap3A_76 = vector.load %arg2[%swap3A_73, %swap3A_74, %swap3A_75] : memref<9x256x16xf32, #tpu.memory_space<vmem>>, vector<1x256x16xf32>
    %swap3A_77 = vector.shape_cast %swap3A_76 : vector<1x256x16xf32> to vector<256x16xf32>
    %swap3A_78 = vector.shape_cast %slice3A_10 : vector<256x16xf32> to vector<1x256x16xf32>
    tpu.vector_store %arg2[%swap3A_73, %swap3A_74, %swap3A_75], %swap3A_78 {strides = array<i32>} : memref<9x256x16xf32, #tpu.memory_space<vmem>>, vector<1x256x16xf32>,
    %mul3A_79 = arith.constant 2.000000e+00 : f32
    %mul3A_80 = vector.broadcast %mul3A_79 : f32 to vector<256x16xf32>
    %mul3A_81 = arith.mulf %mul3A_80, %slice3A_11 : vector<256x16xf32>
    %add3A_82 = arith.addf %sqrt3A, %mul3A_81 : vector<256x16xf32>
    %mul3A_83 = arith.constant 0.577350259 : f32
    %mul3A_84 = vector.broadcast %mul3A_83 : f32 to vector<256x16xf32>
    %mul3A_85 = arith.mulf %mul3A_84, %add3A_82 : vector<256x16xf32>
    %add3A_86 = arith.addf %mul3A_85, %slice3A : vector<256x16xf32>
    %swap3A_87 = arith.constant 8 : index
    %swap3A_88 = arith.constant 0 : index
    %swap3A_89 = arith.constant 0 : index
    %swap3A_90 = vector.load %arg2[%swap3A_87, %swap3A_88, %swap3A_89] : memref<9x256x16xf32, #tpu.memory_space<vmem>>, vector<1x256x16xf32>
    %swap3A_91 = vector.shape_cast %swap3A_90 : vector<1x256x16xf32> to vector<256x16xf32>
    %swap3A_92 = vector.shape_cast %add3A_86 : vector<256x16xf32> to vector<1x256x16xf32>
    tpu.vector_store %arg2[%swap3A_87, %swap3A_88, %swap3A_89], %swap3A_92 {strides = array<i32>} : memref<9x256x16xf32, #tpu.memory_space<vmem>>, vector<1x256x16xf32>,
    return
  }
}

module attributes {stable_mosaic.version = 14 : i64} {
  func.func @_atom_body(%arg0: i32, %arg1: memref<4096x128xf32, #tpu.memory_space<vmem>>, %arg2: memref<128x4096xf32, #tpu.memory_space<vmem>>, %arg3: memref<160x4096xf32, #tpu.memory_space<vmem>>, %arg4: memref<64x128xf32, #tpu.memory_space<vmem>>, %arg5: memref<1x64xf32, #tpu.memory_space<vmem>>, %arg6: memref<2x64xf32, #tpu.memory_space<vmem>>, %arg7: memref<2x1xf32, #tpu.memory_space<vmem>>, %arg8: memref<64x128xf32, #tpu.memory_space<vmem>>, %arg9: memref<64x1xf32, #tpu.memory_space<vmem>>, %arg10: memref<80x160xf32, #tpu.memory_space<vmem>>, %arg11: memref<16x80xf32, #tpu.memory_space<vmem>>, %arg12: memref<80x16xf32, #tpu.memory_space<vmem>>, %arg13: memref<1x64xf32, #tpu.memory_space<vmem>>, %arg14: memref<1x1xf32, #tpu.memory_space<vmem>>, %arg15: memref<80x5xf32, #tpu.memory_space<vmem>>, %arg16: memref<32x8x128xf32, #tpu.memory_space<vmem>>) attributes {dimension_semantics = [#tpu.dimension_semantics<arbitrary>], iteration_bounds = array<i64: 25>, scalar_prefetch = 0 : i64, scratch_operands = 0 : i64, tpu.core_type = #tpu.core_type<tc>, window_params = [{transform_indices = @transform_0, window_bounds = array<i64: 4096, 128>}, {transform_indices = @transform_1, window_bounds = array<i64: 128, 4096>}, {transform_indices = @transform_2, window_bounds = array<i64: 160, 4096>}, {pipeline_mode = #tpu.pipeline_mode<synchronous>, transform_indices = @transform_3, window_bounds = array<i64: 64, 128>}, {pipeline_mode = #tpu.pipeline_mode<synchronous>, transform_indices = @transform_4, window_bounds = array<i64: 1, 64>}, {pipeline_mode = #tpu.pipeline_mode<synchronous>, transform_indices = @transform_5, window_bounds = array<i64: 2, 64>}, {pipeline_mode = #tpu.pipeline_mode<synchronous>, transform_indices = @transform_6, window_bounds = array<i64: 2, 1>}, {pipeline_mode = #tpu.pipeline_mode<synchronous>, transform_indices = @transform_7, window_bounds = array<i64: 64, 128>}, {pipeline_mode = #tpu.pipeline_mode<synchronous>, transform_indices = @transform_8, window_bounds = array<i64: 64, 1>}, {pipeline_mode = #tpu.pipeline_mode<synchronous>, transform_indices = @transform_9, window_bounds = array<i64: 80, 160>}, {pipeline_mode = #tpu.pipeline_mode<synchronous>, transform_indices = @transform_10, window_bounds = array<i64: 16, 80>}, {pipeline_mode = #tpu.pipeline_mode<synchronous>, transform_indices = @transform_11, window_bounds = array<i64: 80, 16>}, {pipeline_mode = #tpu.pipeline_mode<synchronous>, transform_indices = @transform_12, window_bounds = array<i64: 1, 64>}, {pipeline_mode = #tpu.pipeline_mode<synchronous>, transform_indices = @transform_13, window_bounds = array<i64: 1, 1>}, {pipeline_mode = #tpu.pipeline_mode<synchronous>, transform_indices = @transform_14, window_bounds = array<i64: 80, 5>}, {transform_indices = @transform_15, window_bounds = array<i64: 32, 8, 128>}]} {
    %get3A = arith.constant 0 : index
    %get3A_0 = arith.constant 0 : index
    %get3A_1 = vector.load %arg1[%get3A, %get3A_0] : memref<4096x128xf32, #tpu.memory_space<vmem>>, vector<4096x128xf32>
    %get3A_2 = arith.constant 0 : index
    %get3A_3 = arith.constant 0 : index
    %get3A_4 = vector.load %arg4[%get3A_2, %get3A_3] : memref<64x128xf32, #tpu.memory_space<vmem>>, vector<64x128xf32>
    %dot_general3A = arith.constant dense<0.000000e+00> : vector<4096x64xf32>
    %dot_general3A_5 = tpu.matmul %get3A_1, %get3A_4, %dot_general3A {dimension_numbers = #tpu.dot_dimension_numbers<[1], [1], [0], [0], [0, 0, 1, 0], [], []>, transpose_lhs_hint = false} : vector<4096x128xf32>, vector<64x128xf32>, vector<4096x64xf32> -> vector<4096x64xf32>
    %get3A_6 = arith.constant 0 : index
    %get3A_7 = arith.constant 0 : index
    %get3A_8 = vector.load %arg5[%get3A_6, %get3A_7] : memref<1x64xf32, #tpu.memory_space<vmem>>, vector<1x64xf32>
    %add3A = vector.broadcast %get3A_8 : vector<1x64xf32> to vector<4096x64xf32>
    %add3A_9 = arith.addf %dot_general3A_5, %add3A : vector<4096x64xf32>
    %logistic3A = arith.negf %add3A_9 : vector<4096x64xf32>
    %logistic3A_10 = math.exp %logistic3A : vector<4096x64xf32>
    %logistic3A_11 = arith.constant 1.000000e+00 : f32
    %logistic3A_12 = vector.broadcast %logistic3A_11 : f32 to vector<4096x64xf32>
    %logistic3A_13 = arith.addf %logistic3A_12, %logistic3A_10 : vector<4096x64xf32>
    %logistic3A_14 = arith.divf %logistic3A_12, %logistic3A_13 : vector<4096x64xf32>
    %mul3A = arith.mulf %add3A_9, %logistic3A_14 : vector<4096x64xf32>
    %get3A_15 = arith.constant 0 : index
    %get3A_16 = arith.constant 0 : index
    %get3A_17 = vector.load %arg6[%get3A_15, %get3A_16] : memref<2x64xf32, #tpu.memory_space<vmem>>, vector<2x64xf32>
    %dot_general3A_18 = arith.constant dense<0.000000e+00> : vector<2x4096xf32>
    %dot_general3A_19 = tpu.matmul %get3A_17, %mul3A, %dot_general3A_18 {dimension_numbers = #tpu.dot_dimension_numbers<[1], [1], [0], [0], [0, 0, 1, 0], [], []>, transpose_lhs_hint = false} : vector<2x64xf32>, vector<4096x64xf32>, vector<2x4096xf32> -> vector<2x4096xf32>
    %get3A_20 = arith.constant 0 : index
    %get3A_21 = arith.constant 0 : index
    %get3A_22 = vector.load %arg7[%get3A_20, %get3A_21] : memref<2x1xf32, #tpu.memory_space<vmem>>, vector<2x1xf32>
    %add3A_23 = vector.broadcast %get3A_22 : vector<2x1xf32> to vector<2x4096xf32>
    %add3A_24 = arith.addf %dot_general3A_19, %add3A_23 : vector<2x4096xf32>
    %get3A_25 = arith.constant 0 : index
    %get3A_26 = arith.constant 0 : index
    %get3A_27 = vector.load %arg8[%get3A_25, %get3A_26] : memref<64x128xf32, #tpu.memory_space<vmem>>, vector<64x128xf32>
    %get3A_28 = arith.constant 0 : index
    %get3A_29 = arith.constant 0 : index
    %get3A_30 = vector.load %arg2[%get3A_28, %get3A_29] : memref<128x4096xf32, #tpu.memory_space<vmem>>, vector<128x4096xf32>
    %dot_general3A_31 = arith.constant dense<0.000000e+00> : vector<64x4096xf32>
    %dot_general3A_32 = tpu.matmul %get3A_27, %get3A_30, %dot_general3A_31 {dimension_numbers = #tpu.dot_dimension_numbers<[1], [0], [0], [1], [0, 0, 1, 1], [], []>, transpose_lhs_hint = false} : vector<64x128xf32>, vector<128x4096xf32>, vector<64x4096xf32> -> vector<64x4096xf32>
    %mul3A_33 = arith.constant 0.0883883461 : f32
    %mul3A_34 = vector.broadcast %mul3A_33 : f32 to vector<64x4096xf32>
    %mul3A_35 = arith.mulf %dot_general3A_32, %mul3A_34 : vector<64x4096xf32>
    %get3A_36 = arith.constant 0 : index
    %get3A_37 = arith.constant 0 : index
    %get3A_38 = vector.load %arg9[%get3A_36, %get3A_37] : memref<64x1xf32, #tpu.memory_space<vmem>>, vector<64x1xf32>
    %add3A_39 = vector.broadcast %get3A_38 : vector<64x1xf32> to vector<64x4096xf32>
    %add3A_40 = arith.addf %mul3A_35, %add3A_39 : vector<64x4096xf32>
    %abs3A = math.absf %add3A_40 : vector<64x4096xf32>
    %logistic3A_41 = arith.negf %abs3A : vector<64x4096xf32>
    %logistic3A_42 = math.exp %logistic3A_41 : vector<64x4096xf32>
    %logistic3A_43 = arith.constant 1.000000e+00 : f32
    %logistic3A_44 = vector.broadcast %logistic3A_43 : f32 to vector<64x4096xf32>
    %logistic3A_45 = arith.addf %logistic3A_44, %logistic3A_42 : vector<64x4096xf32>
    %logistic3A_46 = arith.divf %logistic3A_44, %logistic3A_45 : vector<64x4096xf32>
    %mul3A_47 = arith.mulf %add3A_40, %logistic3A_46 : vector<64x4096xf32>
    %get3A_48 = arith.constant 0 : index
    %get3A_49 = arith.constant 0 : index
    %get3A_50 = vector.load %arg10[%get3A_48, %get3A_49] : memref<80x160xf32, #tpu.memory_space<vmem>>, vector<80x160xf32>
    %get3A_51 = arith.constant 0 : index
    %get3A_52 = arith.constant 0 : index
    %get3A_53 = vector.load %arg3[%get3A_51, %get3A_52] : memref<160x4096xf32, #tpu.memory_space<vmem>>, vector<160x4096xf32>
    %dot_general3A_54 = arith.constant dense<0.000000e+00> : vector<80x4096xf32>
    %dot_general3A_55 = tpu.matmul %get3A_50, %get3A_53, %dot_general3A_54 {dimension_numbers = #tpu.dot_dimension_numbers<[1], [0], [0], [1], [0, 0, 1, 1], [], []>, transpose_lhs_hint = false} : vector<80x160xf32>, vector<160x4096xf32>, vector<80x4096xf32> -> vector<80x4096xf32>
    %get3A_56 = arith.constant 0 : index
    %get3A_57 = arith.constant 0 : index
    %get3A_58 = vector.load %arg11[%get3A_56, %get3A_57] : memref<16x80xf32, #tpu.memory_space<vmem>>, vector<16x80xf32>
    %mul3A_59 = arith.mulf %dot_general3A_55, %dot_general3A_55 : vector<80x4096xf32>
    %dot_general3A_60 = arith.constant dense<0.000000e+00> : vector<16x4096xf32>
    %dot_general3A_61 = tpu.matmul %get3A_58, %mul3A_59, %dot_general3A_60 {dimension_numbers = #tpu.dot_dimension_numbers<[1], [0], [0], [1], [0, 0, 1, 1], [], []>, transpose_lhs_hint = false} : vector<16x80xf32>, vector<80x4096xf32>, vector<16x4096xf32> -> vector<16x4096xf32>
    %add3A_62 = arith.constant 9.99999996E-13 : f32
    %add3A_63 = vector.broadcast %add3A_62 : f32 to vector<16x4096xf32>
    %add3A_64 = arith.addf %dot_general3A_61, %add3A_63 : vector<16x4096xf32>
    %sqrt3A = math.sqrt %add3A_64 : vector<16x4096xf32>
    %get3A_65 = arith.constant 0 : index
    %get3A_66 = arith.constant 0 : index
    %get3A_67 = vector.load %arg12[%get3A_65, %get3A_66] : memref<80x16xf32, #tpu.memory_space<vmem>>, vector<80x16xf32>
    %logistic3A_68 = arith.negf %sqrt3A : vector<16x4096xf32>
    %logistic3A_69 = math.exp %logistic3A_68 : vector<16x4096xf32>
    %logistic3A_70 = arith.constant 1.000000e+00 : f32
    %logistic3A_71 = vector.broadcast %logistic3A_70 : f32 to vector<16x4096xf32>
    %logistic3A_72 = arith.addf %logistic3A_71, %logistic3A_69 : vector<16x4096xf32>
    %logistic3A_73 = arith.divf %logistic3A_71, %logistic3A_72 : vector<16x4096xf32>
    %dot_general3A_74 = arith.constant dense<0.000000e+00> : vector<80x4096xf32>
    %dot_general3A_75 = tpu.matmul %get3A_67, %logistic3A_73, %dot_general3A_74 {dimension_numbers = #tpu.dot_dimension_numbers<[1], [0], [0], [1], [0, 0, 1, 1], [], []>, transpose_lhs_hint = false} : vector<80x16xf32>, vector<16x4096xf32>, vector<80x4096xf32> -> vector<80x4096xf32>
    %mul3A_76 = arith.mulf %dot_general3A_55, %dot_general3A_75 : vector<80x4096xf32>
    %get3A_77 = arith.constant 0 : index
    %get3A_78 = arith.constant 0 : index
    %get3A_79 = vector.load %arg13[%get3A_77, %get3A_78] : memref<1x64xf32, #tpu.memory_space<vmem>>, vector<1x64xf32>
    %dot_general3A_80 = arith.constant dense<0.000000e+00> : vector<1x4096xf32>
    %dot_general3A_81 = tpu.matmul %get3A_79, %mul3A_47, %dot_general3A_80 {dimension_numbers = #tpu.dot_dimension_numbers<[1], [0], [0], [1], [0, 0, 1, 1], [], []>, transpose_lhs_hint = false} : vector<1x64xf32>, vector<64x4096xf32>, vector<1x4096xf32> -> vector<1x4096xf32>
    %mul3A_82 = arith.constant 1.250000e-01 : f32
    %mul3A_83 = vector.broadcast %mul3A_82 : f32 to vector<1x4096xf32>
    %mul3A_84 = arith.mulf %dot_general3A_81, %mul3A_83 : vector<1x4096xf32>
    %get3A_85 = arith.constant 0 : index
    %get3A_86 = arith.constant 0 : index
    %get3A_87 = vector.load %arg14[%get3A_85, %get3A_86] : memref<1x1xf32, #tpu.memory_space<vmem>>, vector<1x1xf32>
    %add3A_88 = vector.broadcast %get3A_87 : vector<1x1xf32> to vector<1x4096xf32>
    %add3A_89 = arith.addf %mul3A_84, %add3A_88 : vector<1x4096xf32>
    %get3A_90 = arith.constant 0 : index
    %get3A_91 = arith.constant 0 : index
    %get3A_92 = vector.load %arg15[%get3A_90, %get3A_91] : memref<80x5xf32, #tpu.memory_space<vmem>>, vector<80x5xf32>
    %dot_general3A_93 = arith.constant dense<0.000000e+00> : vector<5x4096xf32>
    %dot_general3A_94 = tpu.matmul %get3A_92, %mul3A_76, %dot_general3A_93 {dimension_numbers = #tpu.dot_dimension_numbers<[0], [0], [1], [1], [0, 1, 1, 1], [], []>, transpose_lhs_hint = false} : vector<80x5xf32>, vector<80x4096xf32>, vector<5x4096xf32> -> vector<5x4096xf32>
    %slice3A = vector.extract_strided_slice %add3A_24 {offsets = [0, 0], sizes = [1, 4096], strides = [1, 1]} : vector<2x4096xf32> to vector<1x4096xf32>
    %mul3A_95 = arith.mulf %add3A_89, %slice3A : vector<1x4096xf32>
    %slice3A_96 = vector.extract_strided_slice %add3A_24 {offsets = [1, 0], sizes = [1, 4096], strides = [1, 1]} : vector<2x4096xf32> to vector<1x4096xf32>
    %mul3A_97 = vector.broadcast %slice3A_96 : vector<1x4096xf32> to vector<5x4096xf32>
    %mul3A_98 = arith.mulf %dot_general3A_94, %mul3A_97 : vector<5x4096xf32>
    %broadcast_in_dim3A = arith.constant 0.000000e+00 : f32
    %broadcast_in_dim3A_99 = vector.broadcast %broadcast_in_dim3A : f32 to vector<2x4096xf32>
    %concatenate3A = tpu.concatenate %mul3A_95, %mul3A_98, %broadcast_in_dim3A_99 in 0 : vector<1x4096xf32>, vector<5x4096xf32>, vector<2x4096xf32> -> vector<8x4096xf32>
    %mul3A_100 = arith.constant 4096 : i32
    %mul3A_101 = arith.muli %arg0, %mul3A_100 : i32
    %iota3A = tpu.iota {dimensions = array<i32: 1>} : vector<8x4096xi32>
    %add3A_102 = vector.broadcast %mul3A_101 : i32 to vector<8x4096xi32>
    %add3A_103 = arith.addi %add3A_102, %iota3A : vector<8x4096xi32>
    %lt3A = arith.constant 100000 : i32
    %lt3A_104 = vector.broadcast %lt3A : i32 to vector<8x4096xi32>
    %lt3A_105 = arith.cmpi slt, %add3A_103, %lt3A_104 : vector<8x4096xi32>
    %jit3A = arith.constant 0.000000e+00 : f32
    %broadcast_in_dim3A_106 = vector.broadcast %jit3A : f32 to vector<8x4096xf32>
    %select_n3A = arith.select %lt3A_105, %concatenate3A, %broadcast_in_dim3A_106 : vector<8x4096xi1>, vector<8x4096xf32>
    %slice3A_107 = vector.extract_strided_slice %select_n3A {offsets = [0, 0], sizes = [8, 128], strides = [1, 1]} : vector<8x4096xf32> to vector<8x128xf32>
    %swap3A = arith.constant 0 : index
    %swap3A_108 = arith.constant 0 : index
    %swap3A_109 = arith.constant 0 : index
    %swap3A_110 = vector.load %arg16[%swap3A, %swap3A_108, %swap3A_109] : memref<32x8x128xf32, #tpu.memory_space<vmem>>, vector<1x8x128xf32>
    %swap3A_111 = vector.shape_cast %swap3A_110 : vector<1x8x128xf32> to vector<8x128xf32>
    %swap3A_112 = vector.shape_cast %slice3A_107 : vector<8x128xf32> to vector<1x8x128xf32>
    tpu.vector_store %arg16[%swap3A, %swap3A_108, %swap3A_109], %swap3A_112 {strides = array<i32>} : memref<32x8x128xf32, #tpu.memory_space<vmem>>, vector<1x8x128xf32>,
    %slice3A_113 = vector.extract_strided_slice %select_n3A {offsets = [0, 128], sizes = [8, 128], strides = [1, 1]} : vector<8x4096xf32> to vector<8x128xf32>
    %swap3A_114 = arith.constant 1 : index
    %swap3A_115 = arith.constant 0 : index
    %swap3A_116 = arith.constant 0 : index
    %swap3A_117 = vector.load %arg16[%swap3A_114, %swap3A_115, %swap3A_116] : memref<32x8x128xf32, #tpu.memory_space<vmem>>, vector<1x8x128xf32>
    %swap3A_118 = vector.shape_cast %swap3A_117 : vector<1x8x128xf32> to vector<8x128xf32>
    %swap3A_119 = vector.shape_cast %slice3A_113 : vector<8x128xf32> to vector<1x8x128xf32>
    tpu.vector_store %arg16[%swap3A_114, %swap3A_115, %swap3A_116], %swap3A_119 {strides = array<i32>} : memref<32x8x128xf32, #tpu.memory_space<vmem>>, vector<1x8x128xf32>,
    %slice3A_120 = vector.extract_strided_slice %select_n3A {offsets = [0, 256], sizes = [8, 128], strides = [1, 1]} : vector<8x4096xf32> to vector<8x128xf32>
    %swap3A_121 = arith.constant 2 : index
    %swap3A_122 = arith.constant 0 : index
    %swap3A_123 = arith.constant 0 : index
    %swap3A_124 = vector.load %arg16[%swap3A_121, %swap3A_122, %swap3A_123] : memref<32x8x128xf32, #tpu.memory_space<vmem>>, vector<1x8x128xf32>
    %swap3A_125 = vector.shape_cast %swap3A_124 : vector<1x8x128xf32> to vector<8x128xf32>
    %swap3A_126 = vector.shape_cast %slice3A_120 : vector<8x128xf32> to vector<1x8x128xf32>
    tpu.vector_store %arg16[%swap3A_121, %swap3A_122, %swap3A_123], %swap3A_126 {strides = array<i32>} : memref<32x8x128xf32, #tpu.memory_space<vmem>>, vector<1x8x128xf32>,
    %slice3A_127 = vector.extract_strided_slice %select_n3A {offsets = [0, 384], sizes = [8, 128], strides = [1, 1]} : vector<8x4096xf32> to vector<8x128xf32>
    %swap3A_128 = arith.constant 3 : index
    %swap3A_129 = arith.constant 0 : index
    %swap3A_130 = arith.constant 0 : index
    %swap3A_131 = vector.load %arg16[%swap3A_128, %swap3A_129, %swap3A_130] : memref<32x8x128xf32, #tpu.memory_space<vmem>>, vector<1x8x128xf32>
    %swap3A_132 = vector.shape_cast %swap3A_131 : vector<1x8x128xf32> to vector<8x128xf32>
    %swap3A_133 = vector.shape_cast %slice3A_127 : vector<8x128xf32> to vector<1x8x128xf32>
    tpu.vector_store %arg16[%swap3A_128, %swap3A_129, %swap3A_130], %swap3A_133 {strides = array<i32>} : memref<32x8x128xf32, #tpu.memory_space<vmem>>, vector<1x8x128xf32>,
    %slice3A_134 = vector.extract_strided_slice %select_n3A {offsets = [0, 512], sizes = [8, 128], strides = [1, 1]} : vector<8x4096xf32> to vector<8x128xf32>
    %swap3A_135 = arith.constant 4 : index
    %swap3A_136 = arith.constant 0 : index
    %swap3A_137 = arith.constant 0 : index
    %swap3A_138 = vector.load %arg16[%swap3A_135, %swap3A_136, %swap3A_137] : memref<32x8x128xf32, #tpu.memory_space<vmem>>, vector<1x8x128xf32>
    %swap3A_139 = vector.shape_cast %swap3A_138 : vector<1x8x128xf32> to vector<8x128xf32>
    %swap3A_140 = vector.shape_cast %slice3A_134 : vector<8x128xf32> to vector<1x8x128xf32>
    tpu.vector_store %arg16[%swap3A_135, %swap3A_136, %swap3A_137], %swap3A_140 {strides = array<i32>} : memref<32x8x128xf32, #tpu.memory_space<vmem>>, vector<1x8x128xf32>,
    %slice3A_141 = vector.extract_strided_slice %select_n3A {offsets = [0, 640], sizes = [8, 128], strides = [1, 1]} : vector<8x4096xf32> to vector<8x128xf32>
    %swap3A_142 = arith.constant 5 : index
    %swap3A_143 = arith.constant 0 : index
    %swap3A_144 = arith.constant 0 : index
    %swap3A_145 = vector.load %arg16[%swap3A_142, %swap3A_143, %swap3A_144] : memref<32x8x128xf32, #tpu.memory_space<vmem>>, vector<1x8x128xf32>
    %swap3A_146 = vector.shape_cast %swap3A_145 : vector<1x8x128xf32> to vector<8x128xf32>
    %swap3A_147 = vector.shape_cast %slice3A_141 : vector<8x128xf32> to vector<1x8x128xf32>
    tpu.vector_store %arg16[%swap3A_142, %swap3A_143, %swap3A_144], %swap3A_147 {strides = array<i32>} : memref<32x8x128xf32, #tpu.memory_space<vmem>>, vector<1x8x128xf32>,
    %slice3A_148 = vector.extract_strided_slice %select_n3A {offsets = [0, 768], sizes = [8, 128], strides = [1, 1]} : vector<8x4096xf32> to vector<8x128xf32>
    %swap3A_149 = arith.constant 6 : index
    %swap3A_150 = arith.constant 0 : index
    %swap3A_151 = arith.constant 0 : index
    %swap3A_152 = vector.load %arg16[%swap3A_149, %swap3A_150, %swap3A_151] : memref<32x8x128xf32, #tpu.memory_space<vmem>>, vector<1x8x128xf32>
    %swap3A_153 = vector.shape_cast %swap3A_152 : vector<1x8x128xf32> to vector<8x128xf32>
    %swap3A_154 = vector.shape_cast %slice3A_148 : vector<8x128xf32> to vector<1x8x128xf32>
    tpu.vector_store %arg16[%swap3A_149, %swap3A_150, %swap3A_151], %swap3A_154 {strides = array<i32>} : memref<32x8x128xf32, #tpu.memory_space<vmem>>, vector<1x8x128xf32>,
    %slice3A_155 = vector.extract_strided_slice %select_n3A {offsets = [0, 896], sizes = [8, 128], strides = [1, 1]} : vector<8x4096xf32> to vector<8x128xf32>
    %swap3A_156 = arith.constant 7 : index
    %swap3A_157 = arith.constant 0 : index
    %swap3A_158 = arith.constant 0 : index
    %swap3A_159 = vector.load %arg16[%swap3A_156, %swap3A_157, %swap3A_158] : memref<32x8x128xf32, #tpu.memory_space<vmem>>, vector<1x8x128xf32>
    %swap3A_160 = vector.shape_cast %swap3A_159 : vector<1x8x128xf32> to vector<8x128xf32>
    %swap3A_161 = vector.shape_cast %slice3A_155 : vector<8x128xf32> to vector<1x8x128xf32>
    tpu.vector_store %arg16[%swap3A_156, %swap3A_157, %swap3A_158], %swap3A_161 {strides = array<i32>} : memref<32x8x128xf32, #tpu.memory_space<vmem>>, vector<1x8x128xf32>,
    %slice3A_162 = vector.extract_strided_slice %select_n3A {offsets = [0, 1024], sizes = [8, 128], strides = [1, 1]} : vector<8x4096xf32> to vector<8x128xf32>
    %swap3A_163 = arith.constant 8 : index
    %swap3A_164 = arith.constant 0 : index
    %swap3A_165 = arith.constant 0 : index
    %swap3A_166 = vector.load %arg16[%swap3A_163, %swap3A_164, %swap3A_165] : memref<32x8x128xf32, #tpu.memory_space<vmem>>, vector<1x8x128xf32>
    %swap3A_167 = vector.shape_cast %swap3A_166 : vector<1x8x128xf32> to vector<8x128xf32>
    %swap3A_168 = vector.shape_cast %slice3A_162 : vector<8x128xf32> to vector<1x8x128xf32>
    tpu.vector_store %arg16[%swap3A_163, %swap3A_164, %swap3A_165], %swap3A_168 {strides = array<i32>} : memref<32x8x128xf32, #tpu.memory_space<vmem>>, vector<1x8x128xf32>,
    %slice3A_169 = vector.extract_strided_slice %select_n3A {offsets = [0, 1152], sizes = [8, 128], strides = [1, 1]} : vector<8x4096xf32> to vector<8x128xf32>
    %swap3A_170 = arith.constant 9 : index
    %swap3A_171 = arith.constant 0 : index
    %swap3A_172 = arith.constant 0 : index
    %swap3A_173 = vector.load %arg16[%swap3A_170, %swap3A_171, %swap3A_172] : memref<32x8x128xf32, #tpu.memory_space<vmem>>, vector<1x8x128xf32>
    %swap3A_174 = vector.shape_cast %swap3A_173 : vector<1x8x128xf32> to vector<8x128xf32>
    %swap3A_175 = vector.shape_cast %slice3A_169 : vector<8x128xf32> to vector<1x8x128xf32>
    tpu.vector_store %arg16[%swap3A_170, %swap3A_171, %swap3A_172], %swap3A_175 {strides = array<i32>} : memref<32x8x128xf32, #tpu.memory_space<vmem>>, vector<1x8x128xf32>,
    %slice3A_176 = vector.extract_strided_slice %select_n3A {offsets = [0, 1280], sizes = [8, 128], strides = [1, 1]} : vector<8x4096xf32> to vector<8x128xf32>
    %swap3A_177 = arith.constant 10 : index
    %swap3A_178 = arith.constant 0 : index
    %swap3A_179 = arith.constant 0 : index
    %swap3A_180 = vector.load %arg16[%swap3A_177, %swap3A_178, %swap3A_179] : memref<32x8x128xf32, #tpu.memory_space<vmem>>, vector<1x8x128xf32>
    %swap3A_181 = vector.shape_cast %swap3A_180 : vector<1x8x128xf32> to vector<8x128xf32>
    %swap3A_182 = vector.shape_cast %slice3A_176 : vector<8x128xf32> to vector<1x8x128xf32>
    tpu.vector_store %arg16[%swap3A_177, %swap3A_178, %swap3A_179], %swap3A_182 {strides = array<i32>} : memref<32x8x128xf32, #tpu.memory_space<vmem>>, vector<1x8x128xf32>,
    %slice3A_183 = vector.extract_strided_slice %select_n3A {offsets = [0, 1408], sizes = [8, 128], strides = [1, 1]} : vector<8x4096xf32> to vector<8x128xf32>
    %swap3A_184 = arith.constant 11 : index
    %swap3A_185 = arith.constant 0 : index
    %swap3A_186 = arith.constant 0 : index
    %swap3A_187 = vector.load %arg16[%swap3A_184, %swap3A_185, %swap3A_186] : memref<32x8x128xf32, #tpu.memory_space<vmem>>, vector<1x8x128xf32>
    %swap3A_188 = vector.shape_cast %swap3A_187 : vector<1x8x128xf32> to vector<8x128xf32>
    %swap3A_189 = vector.shape_cast %slice3A_183 : vector<8x128xf32> to vector<1x8x128xf32>
    tpu.vector_store %arg16[%swap3A_184, %swap3A_185, %swap3A_186], %swap3A_189 {strides = array<i32>} : memref<32x8x128xf32, #tpu.memory_space<vmem>>, vector<1x8x128xf32>,
    %slice3A_190 = vector.extract_strided_slice %select_n3A {offsets = [0, 1536], sizes = [8, 128], strides = [1, 1]} : vector<8x4096xf32> to vector<8x128xf32>
    %swap3A_191 = arith.constant 12 : index
    %swap3A_192 = arith.constant 0 : index
    %swap3A_193 = arith.constant 0 : index
    %swap3A_194 = vector.load %arg16[%swap3A_191, %swap3A_192, %swap3A_193] : memref<32x8x128xf32, #tpu.memory_space<vmem>>, vector<1x8x128xf32>
    %swap3A_195 = vector.shape_cast %swap3A_194 : vector<1x8x128xf32> to vector<8x128xf32>
    %swap3A_196 = vector.shape_cast %slice3A_190 : vector<8x128xf32> to vector<1x8x128xf32>
    tpu.vector_store %arg16[%swap3A_191, %swap3A_192, %swap3A_193], %swap3A_196 {strides = array<i32>} : memref<32x8x128xf32, #tpu.memory_space<vmem>>, vector<1x8x128xf32>,
    %slice3A_197 = vector.extract_strided_slice %select_n3A {offsets = [0, 1664], sizes = [8, 128], strides = [1, 1]} : vector<8x4096xf32> to vector<8x128xf32>
    %swap3A_198 = arith.constant 13 : index
    %swap3A_199 = arith.constant 0 : index
    %swap3A_200 = arith.constant 0 : index
    %swap3A_201 = vector.load %arg16[%swap3A_198, %swap3A_199, %swap3A_200] : memref<32x8x128xf32, #tpu.memory_space<vmem>>, vector<1x8x128xf32>
    %swap3A_202 = vector.shape_cast %swap3A_201 : vector<1x8x128xf32> to vector<8x128xf32>
    %swap3A_203 = vector.shape_cast %slice3A_197 : vector<8x128xf32> to vector<1x8x128xf32>
    tpu.vector_store %arg16[%swap3A_198, %swap3A_199, %swap3A_200], %swap3A_203 {strides = array<i32>} : memref<32x8x128xf32, #tpu.memory_space<vmem>>, vector<1x8x128xf32>,
    %slice3A_204 = vector.extract_strided_slice %select_n3A {offsets = [0, 1792], sizes = [8, 128], strides = [1, 1]} : vector<8x4096xf32> to vector<8x128xf32>
    %swap3A_205 = arith.constant 14 : index
    %swap3A_206 = arith.constant 0 : index
    %swap3A_207 = arith.constant 0 : index
    %swap3A_208 = vector.load %arg16[%swap3A_205, %swap3A_206, %swap3A_207] : memref<32x8x128xf32, #tpu.memory_space<vmem>>, vector<1x8x128xf32>
    %swap3A_209 = vector.shape_cast %swap3A_208 : vector<1x8x128xf32> to vector<8x128xf32>
    %swap3A_210 = vector.shape_cast %slice3A_204 : vector<8x128xf32> to vector<1x8x128xf32>
    tpu.vector_store %arg16[%swap3A_205, %swap3A_206, %swap3A_207], %swap3A_210 {strides = array<i32>} : memref<32x8x128xf32, #tpu.memory_space<vmem>>, vector<1x8x128xf32>,
    %slice3A_211 = vector.extract_strided_slice %select_n3A {offsets = [0, 1920], sizes = [8, 128], strides = [1, 1]} : vector<8x4096xf32> to vector<8x128xf32>
    %swap3A_212 = arith.constant 15 : index
    %swap3A_213 = arith.constant 0 : index
    %swap3A_214 = arith.constant 0 : index
    %swap3A_215 = vector.load %arg16[%swap3A_212, %swap3A_213, %swap3A_214] : memref<32x8x128xf32, #tpu.memory_space<vmem>>, vector<1x8x128xf32>
    %swap3A_216 = vector.shape_cast %swap3A_215 : vector<1x8x128xf32> to vector<8x128xf32>
    %swap3A_217 = vector.shape_cast %slice3A_211 : vector<8x128xf32> to vector<1x8x128xf32>
    tpu.vector_store %arg16[%swap3A_212, %swap3A_213, %swap3A_214], %swap3A_217 {strides = array<i32>} : memref<32x8x128xf32, #tpu.memory_space<vmem>>, vector<1x8x128xf32>,
    %slice3A_218 = vector.extract_strided_slice %select_n3A {offsets = [0, 2048], sizes = [8, 128], strides = [1, 1]} : vector<8x4096xf32> to vector<8x128xf32>
    %swap3A_219 = arith.constant 16 : index
    %swap3A_220 = arith.constant 0 : index
    %swap3A_221 = arith.constant 0 : index
    %swap3A_222 = vector.load %arg16[%swap3A_219, %swap3A_220, %swap3A_221] : memref<32x8x128xf32, #tpu.memory_space<vmem>>, vector<1x8x128xf32>
    %swap3A_223 = vector.shape_cast %swap3A_222 : vector<1x8x128xf32> to vector<8x128xf32>
    %swap3A_224 = vector.shape_cast %slice3A_218 : vector<8x128xf32> to vector<1x8x128xf32>
    tpu.vector_store %arg16[%swap3A_219, %swap3A_220, %swap3A_221], %swap3A_224 {strides = array<i32>} : memref<32x8x128xf32, #tpu.memory_space<vmem>>, vector<1x8x128xf32>,
    %slice3A_225 = vector.extract_strided_slice %select_n3A {offsets = [0, 2176], sizes = [8, 128], strides = [1, 1]} : vector<8x4096xf32> to vector<8x128xf32>
    %swap3A_226 = arith.constant 17 : index
    %swap3A_227 = arith.constant 0 : index
    %swap3A_228 = arith.constant 0 : index
    %swap3A_229 = vector.load %arg16[%swap3A_226, %swap3A_227, %swap3A_228] : memref<32x8x128xf32, #tpu.memory_space<vmem>>, vector<1x8x128xf32>
    %swap3A_230 = vector.shape_cast %swap3A_229 : vector<1x8x128xf32> to vector<8x128xf32>
    %swap3A_231 = vector.shape_cast %slice3A_225 : vector<8x128xf32> to vector<1x8x128xf32>
    tpu.vector_store %arg16[%swap3A_226, %swap3A_227, %swap3A_228], %swap3A_231 {strides = array<i32>} : memref<32x8x128xf32, #tpu.memory_space<vmem>>, vector<1x8x128xf32>,
    %slice3A_232 = vector.extract_strided_slice %select_n3A {offsets = [0, 2304], sizes = [8, 128], strides = [1, 1]} : vector<8x4096xf32> to vector<8x128xf32>
    %swap3A_233 = arith.constant 18 : index
    %swap3A_234 = arith.constant 0 : index
    %swap3A_235 = arith.constant 0 : index
    %swap3A_236 = vector.load %arg16[%swap3A_233, %swap3A_234, %swap3A_235] : memref<32x8x128xf32, #tpu.memory_space<vmem>>, vector<1x8x128xf32>
    %swap3A_237 = vector.shape_cast %swap3A_236 : vector<1x8x128xf32> to vector<8x128xf32>
    %swap3A_238 = vector.shape_cast %slice3A_232 : vector<8x128xf32> to vector<1x8x128xf32>
    tpu.vector_store %arg16[%swap3A_233, %swap3A_234, %swap3A_235], %swap3A_238 {strides = array<i32>} : memref<32x8x128xf32, #tpu.memory_space<vmem>>, vector<1x8x128xf32>,
    %slice3A_239 = vector.extract_strided_slice %select_n3A {offsets = [0, 2432], sizes = [8, 128], strides = [1, 1]} : vector<8x4096xf32> to vector<8x128xf32>
    %swap3A_240 = arith.constant 19 : index
    %swap3A_241 = arith.constant 0 : index
    %swap3A_242 = arith.constant 0 : index
    %swap3A_243 = vector.load %arg16[%swap3A_240, %swap3A_241, %swap3A_242] : memref<32x8x128xf32, #tpu.memory_space<vmem>>, vector<1x8x128xf32>
    %swap3A_244 = vector.shape_cast %swap3A_243 : vector<1x8x128xf32> to vector<8x128xf32>
    %swap3A_245 = vector.shape_cast %slice3A_239 : vector<8x128xf32> to vector<1x8x128xf32>
    tpu.vector_store %arg16[%swap3A_240, %swap3A_241, %swap3A_242], %swap3A_245 {strides = array<i32>} : memref<32x8x128xf32, #tpu.memory_space<vmem>>, vector<1x8x128xf32>,
    %slice3A_246 = vector.extract_strided_slice %select_n3A {offsets = [0, 2560], sizes = [8, 128], strides = [1, 1]} : vector<8x4096xf32> to vector<8x128xf32>
    %swap3A_247 = arith.constant 20 : index
    %swap3A_248 = arith.constant 0 : index
    %swap3A_249 = arith.constant 0 : index
    %swap3A_250 = vector.load %arg16[%swap3A_247, %swap3A_248, %swap3A_249] : memref<32x8x128xf32, #tpu.memory_space<vmem>>, vector<1x8x128xf32>
    %swap3A_251 = vector.shape_cast %swap3A_250 : vector<1x8x128xf32> to vector<8x128xf32>
    %swap3A_252 = vector.shape_cast %slice3A_246 : vector<8x128xf32> to vector<1x8x128xf32>
    tpu.vector_store %arg16[%swap3A_247, %swap3A_248, %swap3A_249], %swap3A_252 {strides = array<i32>} : memref<32x8x128xf32, #tpu.memory_space<vmem>>, vector<1x8x128xf32>,
    %slice3A_253 = vector.extract_strided_slice %select_n3A {offsets = [0, 2688], sizes = [8, 128], strides = [1, 1]} : vector<8x4096xf32> to vector<8x128xf32>
    %swap3A_254 = arith.constant 21 : index
    %swap3A_255 = arith.constant 0 : index
    %swap3A_256 = arith.constant 0 : index
    %swap3A_257 = vector.load %arg16[%swap3A_254, %swap3A_255, %swap3A_256] : memref<32x8x128xf32, #tpu.memory_space<vmem>>, vector<1x8x128xf32>
    %swap3A_258 = vector.shape_cast %swap3A_257 : vector<1x8x128xf32> to vector<8x128xf32>
    %swap3A_259 = vector.shape_cast %slice3A_253 : vector<8x128xf32> to vector<1x8x128xf32>
    tpu.vector_store %arg16[%swap3A_254, %swap3A_255, %swap3A_256], %swap3A_259 {strides = array<i32>} : memref<32x8x128xf32, #tpu.memory_space<vmem>>, vector<1x8x128xf32>,
    %slice3A_260 = vector.extract_strided_slice %select_n3A {offsets = [0, 2816], sizes = [8, 128], strides = [1, 1]} : vector<8x4096xf32> to vector<8x128xf32>
    %swap3A_261 = arith.constant 22 : index
    %swap3A_262 = arith.constant 0 : index
    %swap3A_263 = arith.constant 0 : index
    %swap3A_264 = vector.load %arg16[%swap3A_261, %swap3A_262, %swap3A_263] : memref<32x8x128xf32, #tpu.memory_space<vmem>>, vector<1x8x128xf32>
    %swap3A_265 = vector.shape_cast %swap3A_264 : vector<1x8x128xf32> to vector<8x128xf32>
    %swap3A_266 = vector.shape_cast %slice3A_260 : vector<8x128xf32> to vector<1x8x128xf32>
    tpu.vector_store %arg16[%swap3A_261, %swap3A_262, %swap3A_263], %swap3A_266 {strides = array<i32>} : memref<32x8x128xf32, #tpu.memory_space<vmem>>, vector<1x8x128xf32>,
    %slice3A_267 = vector.extract_strided_slice %select_n3A {offsets = [0, 2944], sizes = [8, 128], strides = [1, 1]} : vector<8x4096xf32> to vector<8x128xf32>
    %swap3A_268 = arith.constant 23 : index
    %swap3A_269 = arith.constant 0 : index
    %swap3A_270 = arith.constant 0 : index
    %swap3A_271 = vector.load %arg16[%swap3A_268, %swap3A_269, %swap3A_270] : memref<32x8x128xf32, #tpu.memory_space<vmem>>, vector<1x8x128xf32>
    %swap3A_272 = vector.shape_cast %swap3A_271 : vector<1x8x128xf32> to vector<8x128xf32>
    %swap3A_273 = vector.shape_cast %slice3A_267 : vector<8x128xf32> to vector<1x8x128xf32>
    tpu.vector_store %arg16[%swap3A_268, %swap3A_269, %swap3A_270], %swap3A_273 {strides = array<i32>} : memref<32x8x128xf32, #tpu.memory_space<vmem>>, vector<1x8x128xf32>,
    %slice3A_274 = vector.extract_strided_slice %select_n3A {offsets = [0, 3072], sizes = [8, 128], strides = [1, 1]} : vector<8x4096xf32> to vector<8x128xf32>
    %swap3A_275 = arith.constant 24 : index
    %swap3A_276 = arith.constant 0 : index
    %swap3A_277 = arith.constant 0 : index
    %swap3A_278 = vector.load %arg16[%swap3A_275, %swap3A_276, %swap3A_277] : memref<32x8x128xf32, #tpu.memory_space<vmem>>, vector<1x8x128xf32>
    %swap3A_279 = vector.shape_cast %swap3A_278 : vector<1x8x128xf32> to vector<8x128xf32>
    %swap3A_280 = vector.shape_cast %slice3A_274 : vector<8x128xf32> to vector<1x8x128xf32>
    tpu.vector_store %arg16[%swap3A_275, %swap3A_276, %swap3A_277], %swap3A_280 {strides = array<i32>} : memref<32x8x128xf32, #tpu.memory_space<vmem>>, vector<1x8x128xf32>,
    %slice3A_281 = vector.extract_strided_slice %select_n3A {offsets = [0, 3200], sizes = [8, 128], strides = [1, 1]} : vector<8x4096xf32> to vector<8x128xf32>
    %swap3A_282 = arith.constant 25 : index
    %swap3A_283 = arith.constant 0 : index
    %swap3A_284 = arith.constant 0 : index
    %swap3A_285 = vector.load %arg16[%swap3A_282, %swap3A_283, %swap3A_284] : memref<32x8x128xf32, #tpu.memory_space<vmem>>, vector<1x8x128xf32>
    %swap3A_286 = vector.shape_cast %swap3A_285 : vector<1x8x128xf32> to vector<8x128xf32>
    %swap3A_287 = vector.shape_cast %slice3A_281 : vector<8x128xf32> to vector<1x8x128xf32>
    tpu.vector_store %arg16[%swap3A_282, %swap3A_283, %swap3A_284], %swap3A_287 {strides = array<i32>} : memref<32x8x128xf32, #tpu.memory_space<vmem>>, vector<1x8x128xf32>,
    %slice3A_288 = vector.extract_strided_slice %select_n3A {offsets = [0, 3328], sizes = [8, 128], strides = [1, 1]} : vector<8x4096xf32> to vector<8x128xf32>
    %swap3A_289 = arith.constant 26 : index
    %swap3A_290 = arith.constant 0 : index
    %swap3A_291 = arith.constant 0 : index
    %swap3A_292 = vector.load %arg16[%swap3A_289, %swap3A_290, %swap3A_291] : memref<32x8x128xf32, #tpu.memory_space<vmem>>, vector<1x8x128xf32>
    %swap3A_293 = vector.shape_cast %swap3A_292 : vector<1x8x128xf32> to vector<8x128xf32>
    %swap3A_294 = vector.shape_cast %slice3A_288 : vector<8x128xf32> to vector<1x8x128xf32>
    tpu.vector_store %arg16[%swap3A_289, %swap3A_290, %swap3A_291], %swap3A_294 {strides = array<i32>} : memref<32x8x128xf32, #tpu.memory_space<vmem>>, vector<1x8x128xf32>,
    %slice3A_295 = vector.extract_strided_slice %select_n3A {offsets = [0, 3456], sizes = [8, 128], strides = [1, 1]} : vector<8x4096xf32> to vector<8x128xf32>
    %swap3A_296 = arith.constant 27 : index
    %swap3A_297 = arith.constant 0 : index
    %swap3A_298 = arith.constant 0 : index
    %swap3A_299 = vector.load %arg16[%swap3A_296, %swap3A_297, %swap3A_298] : memref<32x8x128xf32, #tpu.memory_space<vmem>>, vector<1x8x128xf32>
    %swap3A_300 = vector.shape_cast %swap3A_299 : vector<1x8x128xf32> to vector<8x128xf32>
    %swap3A_301 = vector.shape_cast %slice3A_295 : vector<8x128xf32> to vector<1x8x128xf32>
    tpu.vector_store %arg16[%swap3A_296, %swap3A_297, %swap3A_298], %swap3A_301 {strides = array<i32>} : memref<32x8x128xf32, #tpu.memory_space<vmem>>, vector<1x8x128xf32>,
    %slice3A_302 = vector.extract_strided_slice %select_n3A {offsets = [0, 3584], sizes = [8, 128], strides = [1, 1]} : vector<8x4096xf32> to vector<8x128xf32>
    %swap3A_303 = arith.constant 28 : index
    %swap3A_304 = arith.constant 0 : index
    %swap3A_305 = arith.constant 0 : index
    %swap3A_306 = vector.load %arg16[%swap3A_303, %swap3A_304, %swap3A_305] : memref<32x8x128xf32, #tpu.memory_space<vmem>>, vector<1x8x128xf32>
    %swap3A_307 = vector.shape_cast %swap3A_306 : vector<1x8x128xf32> to vector<8x128xf32>
    %swap3A_308 = vector.shape_cast %slice3A_302 : vector<8x128xf32> to vector<1x8x128xf32>
    tpu.vector_store %arg16[%swap3A_303, %swap3A_304, %swap3A_305], %swap3A_308 {strides = array<i32>} : memref<32x8x128xf32, #tpu.memory_space<vmem>>, vector<1x8x128xf32>,
    %slice3A_309 = vector.extract_strided_slice %select_n3A {offsets = [0, 3712], sizes = [8, 128], strides = [1, 1]} : vector<8x4096xf32> to vector<8x128xf32>
    %swap3A_310 = arith.constant 29 : index
    %swap3A_311 = arith.constant 0 : index
    %swap3A_312 = arith.constant 0 : index
    %swap3A_313 = vector.load %arg16[%swap3A_310, %swap3A_311, %swap3A_312] : memref<32x8x128xf32, #tpu.memory_space<vmem>>, vector<1x8x128xf32>
    %swap3A_314 = vector.shape_cast %swap3A_313 : vector<1x8x128xf32> to vector<8x128xf32>
    %swap3A_315 = vector.shape_cast %slice3A_309 : vector<8x128xf32> to vector<1x8x128xf32>
    tpu.vector_store %arg16[%swap3A_310, %swap3A_311, %swap3A_312], %swap3A_315 {strides = array<i32>} : memref<32x8x128xf32, #tpu.memory_space<vmem>>, vector<1x8x128xf32>,
    %slice3A_316 = vector.extract_strided_slice %select_n3A {offsets = [0, 3840], sizes = [8, 128], strides = [1, 1]} : vector<8x4096xf32> to vector<8x128xf32>
    %swap3A_317 = arith.constant 30 : index
    %swap3A_318 = arith.constant 0 : index
    %swap3A_319 = arith.constant 0 : index
    %swap3A_320 = vector.load %arg16[%swap3A_317, %swap3A_318, %swap3A_319] : memref<32x8x128xf32, #tpu.memory_space<vmem>>, vector<1x8x128xf32>
    %swap3A_321 = vector.shape_cast %swap3A_320 : vector<1x8x128xf32> to vector<8x128xf32>
    %swap3A_322 = vector.shape_cast %slice3A_316 : vector<8x128xf32> to vector<1x8x128xf32>
    tpu.vector_store %arg16[%swap3A_317, %swap3A_318, %swap3A_319], %swap3A_322 {strides = array<i32>} : memref<32x8x128xf32, #tpu.memory_space<vmem>>, vector<1x8x128xf32>,
    %slice3A_323 = vector.extract_strided_slice %select_n3A {offsets = [0, 3968], sizes = [8, 128], strides = [1, 1]} : vector<8x4096xf32> to vector<8x128xf32>
    %swap3A_324 = arith.constant 31 : index
    %swap3A_325 = arith.constant 0 : index
    %swap3A_326 = arith.constant 0 : index
    %swap3A_327 = vector.load %arg16[%swap3A_324, %swap3A_325, %swap3A_326] : memref<32x8x128xf32, #tpu.memory_space<vmem>>, vector<1x8x128xf32>
    %swap3A_328 = vector.shape_cast %swap3A_327 : vector<1x8x128xf32> to vector<8x128xf32>
    %swap3A_329 = vector.shape_cast %slice3A_323 : vector<8x128xf32> to vector<1x8x128xf32>
    tpu.vector_store %arg16[%swap3A_324, %swap3A_325, %swap3A_326], %swap3A_329 {strides = array<i32>} : memref<32x8x128xf32, #tpu.memory_space<vmem>>, vector<1x8x128xf32>,
    return
  }
  func.func @transform_0(%arg0: i32) -> (i32, i32) {
    %c0_i32 = arith.constant 0 : i32
    %c0_i32_0 = arith.constant 0 : i32
    return %arg0, %c0_i32 : i32, i32
  }
  func.func @transform_1(%arg0: i32) -> (i32, i32) {
    %c0_i32 = arith.constant 0 : i32
    %c0_i32_0 = arith.constant 0 : i32
    return %c0_i32, %arg0 : i32, i32
  }
  func.func @transform_2(%arg0: i32) -> (i32, i32) {
    %c2_i32 = arith.constant 2 : i32
    %c0_i32 = arith.constant 0 : i32
    return %c2_i32, %arg0 : i32, i32
  }
  func.func @transform_3(%arg0: i32) -> (i32, i32) {
    %c0_i32 = arith.constant 0 : i32
    %c0_i32_0 = arith.constant 0 : i32
    %c0_i32_1 = arith.constant 0 : i32
    return %c0_i32, %c0_i32_0 : i32, i32
  }
  func.func @transform_4(%arg0: i32) -> (i32, i32) {
    %c0_i32 = arith.constant 0 : i32
    %c0_i32_0 = arith.constant 0 : i32
    %c0_i32_1 = arith.constant 0 : i32
    return %c0_i32, %c0_i32_0 : i32, i32
  }
  func.func @transform_5(%arg0: i32) -> (i32, i32) {
    %c0_i32 = arith.constant 0 : i32
    %c0_i32_0 = arith.constant 0 : i32
    %c0_i32_1 = arith.constant 0 : i32
    return %c0_i32, %c0_i32_0 : i32, i32
  }
  func.func @transform_6(%arg0: i32) -> (i32, i32) {
    %c0_i32 = arith.constant 0 : i32
    %c0_i32_0 = arith.constant 0 : i32
    %c0_i32_1 = arith.constant 0 : i32
    return %c0_i32, %c0_i32_0 : i32, i32
  }
  func.func @transform_7(%arg0: i32) -> (i32, i32) {
    %c0_i32 = arith.constant 0 : i32
    %c0_i32_0 = arith.constant 0 : i32
    %c0_i32_1 = arith.constant 0 : i32
    return %c0_i32, %c0_i32_0 : i32, i32
  }
  func.func @transform_8(%arg0: i32) -> (i32, i32) {
    %c0_i32 = arith.constant 0 : i32
    %c0_i32_0 = arith.constant 0 : i32
    %c0_i32_1 = arith.constant 0 : i32
    return %c0_i32, %c0_i32_0 : i32, i32
  }
  func.func @transform_9(%arg0: i32) -> (i32, i32) {
    %c0_i32 = arith.constant 0 : i32
    %c0_i32_0 = arith.constant 0 : i32
    %c0_i32_1 = arith.constant 0 : i32
    return %c0_i32, %c0_i32_0 : i32, i32
  }
  func.func @transform_10(%arg0: i32) -> (i32, i32) {
    %c0_i32 = arith.constant 0 : i32
    %c0_i32_0 = arith.constant 0 : i32
    %c0_i32_1 = arith.constant 0 : i32
    return %c0_i32, %c0_i32_0 : i32, i32
  }
  func.func @transform_11(%arg0: i32) -> (i32, i32) {
    %c0_i32 = arith.constant 0 : i32
    %c0_i32_0 = arith.constant 0 : i32
    %c0_i32_1 = arith.constant 0 : i32
    return %c0_i32, %c0_i32_0 : i32, i32
  }
  func.func @transform_12(%arg0: i32) -> (i32, i32) {
    %c0_i32 = arith.constant 0 : i32
    %c0_i32_0 = arith.constant 0 : i32
    %c0_i32_1 = arith.constant 0 : i32
    return %c0_i32, %c0_i32_0 : i32, i32
  }
  func.func @transform_13(%arg0: i32) -> (i32, i32) {
    %c0_i32 = arith.constant 0 : i32
    %c0_i32_0 = arith.constant 0 : i32
    %c0_i32_1 = arith.constant 0 : i32
    return %c0_i32, %c0_i32_0 : i32, i32
  }
  func.func @transform_14(%arg0: i32) -> (i32, i32) {
    %c0_i32 = arith.constant 0 : i32
    %c0_i32_0 = arith.constant 0 : i32
    %c0_i32_1 = arith.constant 0 : i32
    return %c0_i32, %c0_i32_0 : i32, i32
  }
  func.func @transform_15(%arg0: i32) -> (i32, i32, i32) {
    %c0_i32 = arith.constant 0 : i32
    %c0_i32_0 = arith.constant 0 : i32
    %c0_i32_1 = arith.constant 0 : i32
    return %arg0, %c0_i32, %c0_i32_0 : i32, i32, i32
  }
}

</mosaic_0001>

<sc_bundles>
// kernel: kernel.5.cloned.1.call-start
scs
__scs_entry_jumppad:
0x0: {  	(pc) =	sbr.rel $0x88, $3  }
0x1: {  	(tag) =	ssettag $0x0;
	lr =	simm.s32 $0x1  }
0x2: {  	[smem:$0x3F94] =	sst lr;
	_ =	strace $0xD0000000  }
0x3: {  	_ = 	snop  }
0x4: {  	_ = 	snop  }
0x5: {  	_ = 	snop  }
0x6: {  	_ = 	snop  }
0x7: {  	_ = 	snop  }
__scs_overlays_trampoline_lowered:
0x8: {  	[smem:$0x3FA3] =	sst s0  }
0x9: {  	[smem:$0x3FA4] =	sst s1  }
0xa: {  	[smem:$0x3FA5] =	sst s2  }
0xb: {  	[smem:$0x3FA6] =	sst s3  }
0xc: {  	[smem:$0x3FA7] =	sst s4  }
0xd: {  	[smem:$0x3FA8] =	sst s5  }
0xe: {  	[smem:$0x3FA9] =	sst s6  }
0xf: {  	[smem:$0x3FAA] =	sst s7  }
0x10: {  	[smem:$0x3FAB] =	sst s8  }
0x11: {  	[smem:$0x3FAC] =	sst s9;
	s0 =	simm.s32 @!p0 $0x0  }
0x12: {  	s1 =	sld [smem:$0x3F92];
	s0 =	simm.s32 @p0 $0x1  }
0x13: {  	[smem:$0x3FAD] =	sst s0;
	s0 =	simm.s32 @!p1 $0x0  }
0x14: {  	s2 =	sld [smem:$0x3F91];
	s0 =	simm.s32 @p1 $0x1  }
0x15: {  	[smem:$0x3FAE] =	sst s0;
	s0 =	simm.s32 @!p2 $0x0  }
0x16: {  	s3 =	sld [smem:$0x3FDB];
	s0 =	simm.s32 @p2 $0x1  }
0x17: {  	s4 =	simm.s32 $0x1BF5;
	[smem:$0x3FB0] =	sst s0  }
0x18: {  	s0 =	sld [smem:$0x3F93];
	_ =	swait.ge [sflag:s4], $0x0  }
0x19: {  	s7 =	sld [smem:$0x3F94]  }
0x1a: {  	s8 =	sadd.s32 $0xFFFFE003, lr  }
0x1b: {  	s9 =	sadd.s32 $0xFFFFFEF7, lr;
	s5 =	simm.s32 $0xFFFFFFFF;
	p2 =	slt.u32 s8, $0xFFFFF086  }
0x1c: {  	p1 =	slt.u32 s9, $0xF7A;
	s5 =	simm.s32 @!p2 $0x0  }
0x1d: {  	s5 =	simm.s32 @p1 $0x1;
	p0 =	seq.s32 s7, s2  }
0x1e: {  	s7 =	smul.u32 @!p0 $0xF7A, s2;
	p2 =	seq.s32 @!p0 s5, $0x0  }
0x1f: {  	s9 =	smul.u32 $0xF7A, s1;
	s8 =	simm.s32 @!p0 $0x1BF5;
	p2 =	por !p2, p0  }
0x20: {  	[sflag:s8] =	ssyncset.s32 @!p0 $0xFFFFF086;
	s6 =	sadd.s32 @!p0 s3, s7;
	s7 =	simm.s32 @!p0 $0x108  }
0x21: {  	s3 =	sadd.s32 s3, s9;
	s6 =	sadd.s32 @!p0 $0x88, s6;
	s7 =	simm.s32 @p2 $0x1082  }
0x22: {  	[simem:s7], [sflag:s8] =	dma.local @!p0 [hbm:s6], $0xF7A  }
0x23: {  	s9 =	sor.u32 $0xD0000000, s2;
	s6 =	simm.s32 $0x108;
	_ =	swait.ge @!p0 [sflag:s8], $0x0  }
0x24: {  	s3 =	sadd.s32 $0x88, s3;
	s6 =	simm.s32 @!p1 $0x1082;
	[sflag:s4] =	ssyncset.s32 $0xFFFFF086  }
0x25: {  	[simem:s6], [sflag:s4] =	dma.local [hbm:s3], $0xF7A  }
0x26: {  	[smem:$0x3F94] =	sst s1;
	(tag) =	ssettag s2;
	_ =	strace s9  }
0x27: {  	s1 =	sld [smem:$0x3FA4]  }
0x28: {  	s2 =	sld [smem:$0x3FA5]  }
0x29: {  	s4 =	sld [smem:$0x3FA7]  }
0x2a: {  	p0 =	seq.s32 s5, $0x0;
	s5 =	sld [smem:$0x3FA8]  }
0x2b: {  	s6 =	sld [smem:$0x3FA9]  }
0x2c: {  	s7 =	sld [smem:$0x3FAA]  }
0x2d: {  	s3 =	simm.s32 $0x108;
	s8 =	sld [smem:$0x3FAB]  }
0x2e: {  	s3 =	simm.s32 @!p0 $0x1082;
	s9 =	sld [smem:$0x3FAC]  }
0x2f: {  	lr =	sadd.s32 s0, s3;
	s0 =	sld [smem:$0x3FA3]  }
0x30: {  	s3 =	sld [smem:$0x3FA6]  }
0x31: {  	[smem:$0x3FAF] =	sst s10  }
0x32: {  	s10 =	sld [smem:$0x3FAD];
	_ =	sdelay $0x3  }
0x33: {  	p0 =	seq.s32 s10, $0x1;
	s10 =	sld [smem:$0x3FAF];
	_ =	sdelay $0x3  }
0x34: {  	[smem:$0x3FAF] =	sst s10  }
0x35: {  	s10 =	sld [smem:$0x3FAE];
	_ =	sdelay $0x3  }
0x36: {  	p1 =	seq.s32 s10, $0x1;
	s10 =	sld [smem:$0x3FAF];
	_ =	sdelay $0x3  }
0x37: {  	[smem:$0x3FAF] =	sst s10  }
0x38: {  	s10 =	sld [smem:$0x3FB0]  }
0x39: {  	_ = 	snop;
	(pc) =	sbr.ind lr, $3  }
0x3a: {  	_ = 	snop  }
0x3b: {  	_ = 	snop  }
0x3c: {  	p2 =	seq.s32 s10, $0x1;
	s10 =	sld [smem:$0x3FAF]  }
0x3d: {  	_ =	shalt  }
0x3e: {  	_ =	shalt  }
0x3f: {  	_ =	shalt  }
0x40: {  	_ =	shalt  }
0x41: {  	_ =	shalt  }
0x42: {  	_ =	shalt  }
0x43: {  	_ =	shalt  }
0x44: {  	_ =	shalt  }
0x45: {  	_ =	shalt  }
0x46: {  	_ =	shalt  }
0x47: {  	_ =	shalt  }
0x48: {  	_ =	shalt  }
0x49: {  	_ =	shalt  }
0x4a: {  	_ =	shalt  }
0x4b: {  	_ =	shalt  }
0x4c: {  	_ =	shalt  }
0x4d: {  	_ =	shalt  }
0x4e: {  	_ =	shalt  }
0x4f: {  	_ =	shalt  }
0x50: {  	_ =	shalt  }
0x51: {  	_ =	shalt  }
0x52: {  	_ =	shalt  }
0x53: {  	_ =	shalt  }
0x54: {  	_ =	shalt  }
0x55: {  	_ =	shalt  }
0x56: {  	_ =	shalt  }
0x57: {  	_ =	shalt  }
0x58: {  	_ =	shalt  }
0x59: {  	_ =	shalt  }
0x5a: {  	_ =	shalt  }
0x5b: {  	_ =	shalt  }
0x5c: {  	_ =	shalt  }
0x5d: {  	_ =	shalt  }
0x5e: {  	_ =	shalt  }
0x5f: {  	_ =	shalt  }
0x60: {  	_ =	shalt  }
0x61: {  	_ =	shalt  }
0x62: {  	_ =	shalt  }
0x63: {  	_ =	shalt  }
0x64: {  	_ =	shalt  }
0x65: {  	_ =	shalt  }
0x66: {  	_ =	shalt  }
0x67: {  	_ =	shalt  }
0x68: {  	_ =	shalt  }
0x69: {  	_ =	shalt  }
0x6a: {  	_ =	shalt  }
0x6b: {  	_ =	shalt  }
0x6c: {  	_ =	shalt  }
0x6d: {  	_ =	shalt  }
0x6e: {  	_ =	shalt  }
0x6f: {  	_ =	shalt  }
0x70: {  	_ =	shalt  }
0x71: {  	_ =	shalt  }
0x72: {  	_ =	shalt  }
0x73: {  	_ =	shalt  }
0x74: {  	_ =	shalt  }
0x75: {  	_ =	shalt  }
0x76: {  	_ =	shalt  }
0x77: {  	_ =	shalt  }
0x78: {  	_ =	shalt  }
0x79: {  	_ =	shalt  }
0x7a: {  	_ =	shalt  }
0x7b: {  	_ =	shalt  }
0x7c: {  	_ =	shalt  }
0x7d: {  	_ =	shalt  }
0x7e: {  	_ =	shalt  }
0x7f: {  	_ =	shalt  }
0x80: {  	_ =	shalt  }
0x81: {  	_ =	shalt  }
0x82: {  	_ =	shalt  }
0x83: {  	_ =	shalt  }
0x84: {  	_ =	shalt  }
0x85: {  	_ =	shalt  }
0x86: {  	_ =	shalt  }
0x87: {  	_ =	shalt  }
.Lfunc_end0:
.L_simem_size_0:
called_computation_lowered:
.L_overlay_start_0:
0x88: {  	s2 =	sld [smem:$0x3FD9]  }
0x89: {  	s3 =	sld [smem:$0x3FFE];
	_ =	sdelay $0x1  }
0x8a: {  	s1 =	srdreg.scid  }
0x8b: {  	s0 =	sand.u32 $0x1, s1  }
0x8c: {  	s17 =	sshll.u32 s0, $0xA;
	s2 =	sadd.s32 s3, s2  }
0x8d: {  	s2 =	sadd.s32 s2, s17  }
0x8e: {  	[smem:$0x3FBB] =	sst s2  }
0x8f: {  	_ = 	snop  }
0x90: {  	s2 =	sld [smem:$0x3FC7]  }
0x91: {  	s18 =	sld [smem:$0x3FD0];
	(tm) =	ssettm $0x1  }
0x92: {  	s4 =	sld [smem:$0x3FFB];
	_ =	sdelay $0x3  }
0x93: {  	_ =	strace s4  }
0x94: {  	s4 =	sld [smem:$0x3FFC];
	_ =	sdelay $0x3  }
0x95: {  	_ =	strace s4  }
0x96: {  	s4 =	sld [smem:$0x3FFD];
	_ =	sdelay $0x3  }
0x97: {  	_ =	strace s4  }
0x98: {  	_ =	strace $0x8FFFFFFF  }
0x99: {  	s19 =	sld [smem:$0x3FDB];
	_ =	sdelay $0x1  }
0x9a: {  	s5 =	simm.s32 $_scs_section_size  }
0x9b: {  	s6 =	simm.s32 $_size__tile_overlayer_lowered;
	s7 =	simm.s32 $_tile_overlayer_lowered  }
0x9c: {  	s22 =	simm.s32 $0x1BFF;
	s21 =	sshll.u32 s7, $0x1;
	s4 =	sadd.s32 s5, s19  }
0x9d: {  	s8 =	simm.s32 $0x0;
	s20 =	sshll.u32 s6, $0x1;
	s6 =	sadd.s32 s21, s4  }
0x9e: {  	[timem:s8], [sflag:s22] =	dma.local [hbm:s6], s20  }
0x9f: {  	_ =	swait.ge [sflag:s22], s20  }
0xa0: {  	s5 =	ssub.s32 $0x0, s20;
	[sflag:s22] =	ssyncset.done $0x0  }
0xa1: {  	[sflag:s22] =	ssyncadd.s32 s5;
	_ =	sdelay $0x1  }
0xa2: {  	s23 =	simm.s32 $0x1B8B  }
0xa3: {  	_ =	swait.ge [sflag:s23], $0x1  }
0xa4: {  	[sflag:s23] =	ssyncset.done $0x0  }
0xa5: {  	s25 =	simm.s32 $0x1B8E;
	s24 =	sld [smem:$0x3FFE];
	[sflag:s23] =	ssyncadd.s32 $0xFFFFFFFF  }
0xa6: {  	s26 =	simm.s32 $execute0_lowered;
	[smem:$0x3FD2] =	sst s25  }
0xa7: {  	s6 =	sshll.u32 s26, $0x1;
	_ =	strace $0x80000046;
	[dreg:$0x1] =	wrdreg $0xFFFFFFFF  }
0xa8: {  	s28 =	simm.s32 $_size_execute0_lowered;
	s4 =	sadd.s32 s4, s6;
	[dreg:$0x0] =	wrdreg $0x0  }
0xa9: {  	s6 =	sshll.u32 s28, $0x1;
	[dreg:$0x2] =	wrdreg s4  }
0xaa: {  	[dreg:$0x3] =	wrdreg s6  }
0xab: {  	[dreg:$0x4] =	wrdreg $0xC0  }
0xac: {  	_ =	task [dreg:s8], $0x5FFFF  }
0xad: {  	[dreg:$0x1] =	wrdreg $0xFFFFFFFF  }
0xae: {  	[dreg:$0x0] =	wrdreg $0x60  }
0xaf: {  	[dreg:$0x2] =	wrdreg s24  }
0xb0: {  	[dreg:$0x3] =	wrdreg s2  }
0xb1: {  	[dreg:$0x4] =	wrdreg s18  }
0xb2: {  	[dreg:$0x5] =	wrdreg $0xD4800  }
0xb3: {  	[dreg:$0x6] =	wrdreg $0x9  }
0xb4: {  	_ =	task.clear_ibuf [dreg:s8], $0x7FFFF;
	_ =	strace $0x90000046  }
0xb5: {  	s29 =	simm.s32 $0x9;
	_ =	strace $0x80000048  }
0xb6: {  	_ =	swait.ge [sflag:s29], $0x1  }
0xb7: {  	[sflag:s29] =	ssyncadd.s32 $0xFFFFFFFF  }
0xb8: {  	_ =	strace $0x90000048  }
0xb9: {  	_ =	sfence  }
0xba: {  	s30 =	sld [smem:$0x0];
	_ =	sdelay $0x2  }
0xbb: {  	s31 =	sshll.u32 s1, $0xD;
	s1 =	sshrl.u32 s1, $0x2  }
0xbc: {  	s3 =	sand.u32 $0x4000, s31;
	s1 =	sadd.s32 s1, s30  }
0xbd: {  	s0 =	sor.u32 s3, s0;
	s1 =	sshll.u32 s1, $0x11  }
0xbe: {  	s0 =	sor.u32 s1, s0  }
0xbf: {  	s0 =	sadd.s32 $0x8F2B, s0  }
0xc0: {  	[sflag:s0] =	ssyncadd.remote.s32 $0x1  }
0xc1: {  	_ =	sfence.sel $0xFFFF  }
0xc2: {  	[dreg:$0x0] =	wrdreg $0xFFFFFFFF;
	(pc) =	sbr.abs _section_cstart, $3  }
0xc3: {  	[dreg:$0x1] =	wrdreg $0xFFFFFFFF  }
0xc4: {  	_ =	task.clear_ibuf [dreg:s8], $0x2FFFF;
	_ =	strace $0x9FFFFFFF  }
0xc5: {  	(tm) =	ssettm $0x7FFFFFFF  }
tec
execute0_lowered:
.L_overlay_start_1:
0x0: {  	(tag) =	ssettag $0x1  }
0x1: {  	s4 =	rddreg [dreg:$0x0]  }
0x2: {  	s8 =	rddreg [dreg:$0x1]  }
0x3: {  	s5 =	rddreg [dreg:$0x2];
	s1 =	srdreg.scid  }
0x4: {  	s0 =	stileid.u32;
	s2 =	rddreg [dreg:$0x3]  }
0x5: {  	s3 =	simm.s32 $0x0;
	s6 =	sand.u32 $0x1, s1;
	s1 =	rddreg [dreg:$0x4]  }
0x6: {  	s7 =	sshll.u32 s0, $0x1;
	[smem:$0x7FF] =	sst s3;
	s10 =	sshll.u32 s0, $0x8  }
0x7: {  	s29 =	sshll.u32 s0, $0xB;
	s30 =	sshll.u32 s0, $0x6;
	s11 =	sor.u32 s6, s7  }
0x8: {  	_ =	strace $0x80000047;
	s9 =	ssub.s32 $0x2, s6;
	s13 =	sadd.s32 s10, s4  }
0x9: {  	s14 =	sadd.s32 s29, s2;
	s31 =	sshll.u32 s6, $0xC;
	s7 =	smul.u32 $0xC80, s11  }
0xa: {  	s12 =	sshrl.u32 s9, $0x1;
	s15 =	smul.u32 $0x190, s11;
	p0 =	seq.s32 s11, $0x1F  }
0xb: {  	s11 =	sshrl.u32 s14, $0x3;
	s14 =	simm.s32 $0x7080;
	s12 =	ssub.s32 s9, s12  }
0xc: {  	s9 =	sadd.s32 s31, s13;
	s13 =	simm.s32 $0xC80;
	s7 =	sadd.s32 s7, s4  }
0xd: {  	s4 =	sadd.s32 s5, s10;
	s5 =	sor.u32 $0x1C01, s30;
	s9 =	sadd.s32 $0x1A800, s9  }
0xe: {  	v1 =	vlaneseq.u32;
	s10 =	smax.u32 s12, $0x1;
	s12 =	simm.s32 $0x1;
	s6 =	sadd.s32 $0x1800, s7  }
0xf: {  	v0 =	vimm.s32 $0x0;
	v1 =	vmul.u32 $0x8, v1;
	s7 =	sadd.s32 s8, s15;
	s8 =	sadd.s32 $0x3070, s8;
	s15 =	simm.s32 $0x0  }
.LBB2_1:
0x10: {  	[spmem:s11], [sflag:s5] =	dma.local [hbm:s4], $0x100  }
0x11: {  	_ =	swait.ge [sflag:s12], $0x100  }
0x12: {  	[sflag:s12] =	ssyncset.done $0x0  }
.Ltmp0:
0x13: {  	[sflag:s12] =	ssyncadd.s32 $0xFFFFFF00;
	(pc) =	sbr.rel @!p0 .LBB2_2-.Ltmp0, $4  }
0x14: {  	[tilespmem:s13], [sflag:$0x1] =	stream.linear.gather [hbm4b:s6+s3], $0x6400, $0x38;
	[tilespmem:$0xDC80] =	vst v63  }
0x15: {  	_ =	swait.ge [sflag:s12], $0x6400  }
0x16: {  	[sflag:s12] =	ssyncset.done $0x0  }
0x17: {  	[sflag:s12] =	ssyncadd.s32 $0xFFFF9C00  }
0x18: {  	[tilespmem:s3], [sflag:$0x1] =	stream.linear.gather [hbm4b:s8+s3], $0x320, $0x38;
	[tilespmem:$0xDC80] =	vst v63  }
0x19: {  	_ =	swait.ge [sflag:s12], $0x320  }
0x1a: {  	[sflag:s12] =	ssyncset.done $0x0  }
0x1b: {  	s16 =	simm.s32 $0xCC0;
	s17 =	simm.s32 $0x320;
	[sflag:s12] =	ssyncadd.s32 $0xFFFFFCE0  }
.LBB2_4:
0x1c: {  	p1 =	sne.s32 s16, $0x31C0;
	[tilespmem:s17+$0x0] =	vst v0;
	s17 =	smov.u32 s16;
	s16 =	sadd.s32 $0x40, s16  }
.Ltmp1:
0x1d: {  	(pc) =	sbr.rel @p1 .LBB2_4-.Ltmp1, $2  }
0x1e: {  	_ =	sdelay $0x2  }
0x1f: {  	s17 =	sshra.s32 s17, $0x2  }
.Ltmp2:
0x20: {  	(pc) =	sbr.rel .LBB2_6-.Ltmp2, $2  }
0x21: {  	_ =	sdelay $0x2  }
0x22: {  	[tilespmem:s17+$0x0] =	vst v0  }
.LBB2_2:
0x23: {  	[tilespmem:s3], [sflag:$0x1] =	stream.linear.gather [hbm4b:s7+s3], $0xC80, $0x38;
	[tilespmem:$0xDC80] =	vst v63  }
0x24: {  	_ =	swait.ge [sflag:s12], $0xC80  }
0x25: {  	[sflag:s12] =	ssyncset.done $0x0  }
0x26: {  	[sflag:s12] =	ssyncadd.s32 $0xFFFFF380  }
.LBB2_6:
0x27: {  	s16 =	simm.s32 $0x0  }
0x28: {  	v2 =	vmov s16;
	s17 =	sand.u32 $0x70, s16;
	s16 =	sand.u32 $0x7C00, s16  }
0x29: {  	v2 =	vshll.u32 v2, $0x3;
	s17 =	sor.u32 s17, s16  }
0x2a: {  	v3 =	vld [tilespmem:s17+$0xC80];
	v4 =	vor.u32 v1, v2;
	_ =	sdelay $0x4  }
0x2b: {  	[tilespmem:v4+s14+$0x0] =	vst.idx.msk $0xffff, v3  }
0x2c: {  	v3 =	vor.u32 $0x1, v4;
	v2 =	vld [tilespmem:s17+$0xD00];
	_ =	sdelay $0x4  }
0x2d: {  	[tilespmem:v3+s14+$0x0] =	vst.idx.msk $0xffff, v2  }
0x2e: {  	v3 =	vor.u32 $0x2, v4;
	v2 =	vld [tilespmem:s17+$0xD80];
	_ =	sdelay $0x4  }
0x2f: {  	[tilespmem:v3+s14+$0x0] =	vst.idx.msk $0xffff, v2  }
0x30: {  	v3 =	vor.u32 $0x3, v4;
	v2 =	vld [tilespmem:s17+$0xE00];
	_ =	sdelay $0x4  }
0x31: {  	[tilespmem:v3+s14+$0x0] =	vst.idx.msk $0xffff, v2  }
0x32: {  	v3 =	vor.u32 $0x4, v4;
	v2 =	vld [tilespmem:s17+$0xE80];
	_ =	sdelay $0x4  }
0x33: {  	[tilespmem:v3+s14+$0x0] =	vst.idx.msk $0xffff, v2  }
0x34: {  	v3 =	vor.u32 $0x5, v4;
	v2 =	vld [tilespmem:s17+$0xF00];
	_ =	sdelay $0x4  }
0x35: {  	[tilespmem:v3+s14+$0x0] =	vst.idx.msk $0xffff, v2  }
0x36: {  	v3 =	vor.u32 $0x6, v4;
	v2 =	vld [tilespmem:s17+$0xF80];
	_ =	sdelay $0x4  }
0x37: {  	[tilespmem:v3+s14+$0x0] =	vst.idx.msk $0xffff, v2  }
0x38: {  	v3 =	vor.u32 $0x7, v4;
	v2 =	vld [tilespmem:s17+$0x1000];
	_ =	sdelay $0x2  }
0x39: {  	s19 =	simm.s32 $0x80;
	s16 =	simm.s32 $0x10  }
0x3a: {  	s19 =	sand.u32 $0x7C00, s19;
	s18 =	sand.u32 $0x70, s16;
	v4 =	vmov s16;
	s17 =	simm.s32 $0x100  }
.LBB2_7:
0x3b: {  	p1 =	sne.s32 s17, $0x6380;
	v4 =	vshll.u32 v4, $0x3;
	s18 =	sor.u32 s18, s19;
	[tilespmem:v3+s14+$0x0] =	vst.idx.msk $0xffff, v2  }
0x3c: {  	v2 =	vld [tilespmem:s18+$0xC80];
	v3 =	vor.u32 v1, v4;
	_ =	sdelay $0x4  }
0x3d: {  	[tilespmem:v3+s14+$0x0] =	vst.idx.msk $0xffff, v2  }
0x3e: {  	v4 =	vor.u32 $0x1, v3;
	v2 =	vld [tilespmem:s18+$0xD00];
	_ =	sdelay $0x4  }
0x3f: {  	[tilespmem:v4+s14+$0x0] =	vst.idx.msk $0xffff, v2  }
0x40: {  	v4 =	vor.u32 $0x2, v3;
	v2 =	vld [tilespmem:s18+$0xD80];
	_ =	sdelay $0x4  }
0x41: {  	[tilespmem:v4+s14+$0x0] =	vst.idx.msk $0xffff, v2  }
0x42: {  	v4 =	vor.u32 $0x3, v3;
	v2 =	vld [tilespmem:s18+$0xE00];
	_ =	sdelay $0x4  }
0x43: {  	[tilespmem:v4+s14+$0x0] =	vst.idx.msk $0xffff, v2  }
0x44: {  	v4 =	vor.u32 $0x4, v3;
	v2 =	vld [tilespmem:s18+$0xE80];
	_ =	sdelay $0x4  }
0x45: {  	[tilespmem:v4+s14+$0x0] =	vst.idx.msk $0xffff, v2  }
0x46: {  	v4 =	vor.u32 $0x5, v3;
	v2 =	vld [tilespmem:s18+$0xF00];
	_ =	sdelay $0x4  }
0x47: {  	[tilespmem:v4+s14+$0x0] =	vst.idx.msk $0xffff, v2  }
0x48: {  	v4 =	vor.u32 $0x6, v3;
	v2 =	vld [tilespmem:s18+$0xF80];
	_ =	sdelay $0x4  }
0x49: {  	[tilespmem:v4+s14+$0x0] =	vst.idx.msk $0xffff, v2  }
.Ltmp3:
0x4a: {  	v3 =	vor.u32 $0x7, v3;
	v2 =	vld [tilespmem:s18+$0x1000];
	(pc) =	sbr.rel @p1 .LBB2_7-.Ltmp3, $3  }
0x4b: {  	_ =	sdelay $0x1  }
0x4c: {  	s16 =	sadd.s32 $0x10, s16  }
0x4d: {  	s19 =	sand.u32 $0x7C00, s17;
	s17 =	sadd.s32 $0x80, s17;
	v4 =	vmov s16;
	s18 =	sand.u32 $0x70, s16  }
0x4e: {  	_ =	sdelay $0x3  }
0x4f: {  	v4 =	vshll.u32 v4, $0x3;
	s16 =	sor.u32 s18, s19;
	[tilespmem:v3+s14+$0x0] =	vst.idx.msk $0xffff, v2  }
0x50: {  	v2 =	vld [tilespmem:s16+$0xC80];
	v3 =	vor.u32 v1, v4;
	_ =	sdelay $0x4  }
0x51: {  	[tilespmem:v3+s14+$0x0] =	vst.idx.msk $0xffff, v2  }
0x52: {  	v4 =	vor.u32 $0x1, v3;
	v2 =	vld [tilespmem:s16+$0xD00];
	_ =	sdelay $0x4  }
0x53: {  	[tilespmem:v4+s14+$0x0] =	vst.idx.msk $0xffff, v2  }
0x54: {  	v59 =	vor.u32 $0x2, v3;
	v2 =	vld [tilespmem:s16+$0xD80];
	_ =	sdelay $0x4  }
0x55: {  	[tilespmem:v59+s14+$0x0] =	vst.idx.msk $0xffff, v2  }
0x56: {  	v60 =	vor.u32 $0x3, v3;
	v2 =	vld [tilespmem:s16+$0xE00];
	_ =	sdelay $0x4  }
0x57: {  	[tilespmem:v60+s14+$0x0] =	vst.idx.msk $0xffff, v2  }
0x58: {  	v61 =	vor.u32 $0x4, v3;
	v2 =	vld [tilespmem:s16+$0xE80];
	_ =	sdelay $0x4  }
0x59: {  	[tilespmem:v61+s14+$0x0] =	vst.idx.msk $0xffff, v2  }
0x5a: {  	v62 =	vor.u32 $0x5, v3;
	v2 =	vld [tilespmem:s16+$0xF00];
	_ =	sdelay $0x4  }
0x5b: {  	[tilespmem:v62+s14+$0x0] =	vst.idx.msk $0xffff, v2  }
0x5c: {  	v63 =	vor.u32 $0x6, v3;
	v2 =	vld [tilespmem:s16+$0xF80];
	_ =	sdelay $0x4  }
0x5d: {  	[tilespmem:v63+s14+$0x0] =	vst.idx.msk $0xffff, v2  }
0x5e: {  	v3 =	vor.u32 $0x7, v3;
	v2 =	vld [tilespmem:s16+$0x1000];
	_ =	sdelay $0x4  }
0x5f: {  	[tilespmem:v3+s14+$0x0] =	vst.idx.msk $0xffff, v2  }
0x60: {  	[bflag:$0x0] =	sbarrier.arrive $0xFFFF  }
0x61: {  	[spmem:s2] =	stream.indirect.scatter.add.f32 [tilespmem:s14], [sflag:$0x1], $0x8, s3, s13, $0xb8;
	[tilespmem:$0xDC80] =	vst v63  }
0x62: {  	_ =	swait.ge [sflag:s12], $0x6400  }
0x63: {  	s15 =	sadd.s32 $0x1, s15;
	[sflag:s12] =	ssyncset.done $0x0  }
0x64: {  	p1 =	sne.s32 s15, s10;
	[sflag:s12] =	ssyncadd.s32 $0xFFFF9C00  }
.Ltmp4:
0x65: {  	[bflag:$0x0] =	sbarrier.arrive $0xFFFF;
	(pc) =	sbr.rel @p1 .LBB2_1-.Ltmp4, $4  }
0x66: {  	[hbm:s9], [sflag:s5] =	dma.local [spmem:s11], $0x100  }
0x67: {  	_ =	swait.ge [sflag:s12], $0x100  }
0x68: {  	[sflag:s12] =	ssyncset.done $0x0  }
0x69: {  	[sflag:s12] =	ssyncadd.s32 $0xFFFFFF00  }
0x6a: {  	_ =	sfence.sel $0x180000  }
0x6b: {  	[bflag:$0x0] =	sbarrier.arrive $0xFFFF  }
0x6c: {  	p0 =	sne.s32 s0, $0x0;
	_ =	strace $0x90000047  }
0x6d: {  	s0 =	sadd.s32 @!p0 $0x100000, s1;
	[bflag:$0x2] =	sbarrier.arrive $0xFFFF  }
0x6e: {  	[sflag:s0] =	ssyncadd.tile.s32 @!p0 $0x1;
	_ =	shalt  }
.Lfunc_end2:
_tile_overlayer_lowered:
.L_overlay_start_2:
0x6f: {  	(tag) =	ssettag $0x2  }
0x70: {  	s0 =	rddreg [dreg:$0x0];
	s2 =	stileid.u32  }
0x71: {  	s1 =	rddreg [dreg:$0x1];
	p0 =	sne.s32 s2, $0x0  }
0x72: {  	s3 =	rddreg [dreg:$0x2];
	[bflag:$0x3] =	sbarrier.arrive $0xFFFF;
	s2 =	simm.s32 @!p0 $0x1C01  }
0x73: {  	[timem:s3], [sflag:s2] =	dma.local @!p0 [hbm:s0], s1  }
0x74: {  	s0 =	simm.s32 @!p0 $0x1  }
0x75: {  	_ =	swait.ge @!p0 [sflag:s0], s1  }
0x76: {  	s1 =	ssub.s32 @!p0 $0x0, s1;
	[sflag:s0] =	ssyncset.done @!p0 $0x0  }
0x77: {  	[sflag:s0] =	ssyncadd.s32 @!p0 s1  }
0x78: {  	[bflag:$0x3] =	sbarrier.arrive $0xFFFF  }
0x79: {  	_ =	shalt  }

</sc_bundles>
